<compile_context>
chip_gen: v7x
topology: tpu7x:2x2x1
jax: 0.10.2.dev20260603
libtpu: 0.0.44.dev20260713+nightly
codegen_flags: <defaults>
</compile_context>

<pallas_src>
import functools

import jax
import jax.numpy as jnp
from jax import lax
from jax.experimental import pallas as pl
from jax.experimental.pallas import tpu as pltpu
from jax.experimental.pallas import tpu_sc as plsc

K = 8192
D = 256
NT = 16384
BM = 512
N_BLOCKS = NT // BM

_GROUPS = ((0, 2736), (2736, 5472), (5472, K))


def _wn_body(w_ref, wn_ref):
    w = w_ref[...]
    ones = jnp.ones((8, D), jnp.float32)
    wn8 = lax.dot_general(ones, w * w, (((1,), (1,)), ((), ())),
                          preferred_element_type=jnp.float32)
    wn_ref[...] = wn8[:1, :]


def _codebook_norms(w):
    return pl.pallas_call(
        _wn_body,
        out_shape=jax.ShapeDtypeStruct((1, K), jnp.float32),
    )(w)


def _aligned(lo, hi):
    return (lo // 128) * 128, ((hi + 127) // 128) * 128


def _distance_argmin_body(z_ref, w_ref, wn_ref, pen_ref, col_ref,
                          idx_ref, loss_ref, acc_ref):
    i = pl.program_id(0)

    @pl.when(i == 0)
    def _():
        acc_ref[0, 0] = 0.0

    zb = z_ref[...]
    mm2 = lax.dot_general(zb + zb, w_ref[...], (((1,), (1,)), ((), ())),
                          preferred_element_type=jnp.float32)
    zn = jnp.sum(zb * zb, axis=1, keepdims=True)
    d = (zn + wn_ref[...]) - mm2

    acc_v = acc_i = None
    for g, (lo, hi) in enumerate(_GROUPS):
        lo_a, hi_a = _aligned(lo, hi)
        dm = d[:, lo_a:hi_a] + pen_ref[g:g + 1, lo_a:hi_a]
        w_v = jnp.min(dm, axis=1, keepdims=True)
        w_i = jnp.min(jnp.where(dm == w_v, col_ref[:, lo_a:hi_a], float(K)),
                      axis=1, keepdims=True)
        if acc_v is None:
            acc_v, acc_i = w_v, w_i
        else:
            av = acc_v.astype(jnp.bfloat16).astype(jnp.float32)
            take = w_v < av
            acc_v = jnp.where(take, w_v, acc_v)
            acc_i = jnp.where(take, w_i, acc_i)

    idx_ref[...] = acc_i.astype(jnp.int32).reshape((BM,))
    acc_ref[0, 0] += jnp.sum(acc_v)

    @pl.when(i == N_BLOCKS - 1)
    def _():
        loss_ref[0, 0] = acc_ref[0, 0] * (1.25 / (NT * D))


def _distance_argmin(z_flat, w, wn, pen, colf):
    return pl.pallas_call(
        _distance_argmin_body,
        grid=(N_BLOCKS,),
        in_specs=[
            pl.BlockSpec((BM, D), lambda i: (i, 0)),
            pl.BlockSpec((K, D), lambda i: (0, 0)),
            pl.BlockSpec((1, K), lambda i: (0, 0)),
            pl.BlockSpec((len(_GROUPS), K), lambda i: (0, 0)),
            pl.BlockSpec((1, K), lambda i: (0, 0)),
        ],
        out_specs=[
            pl.BlockSpec((BM,), lambda i: (i,)),
            pl.BlockSpec((1, 1), lambda i: (0, 0),
                         memory_space=pltpu.SMEM),
        ],
        out_shape=[
            jax.ShapeDtypeStruct((NT,), jnp.int32),
            jax.ShapeDtypeStruct((1, 1), jnp.float32),
        ],
        scratch_shapes=[
            pltpu.SMEM((1, 1), jnp.float32),
        ],
        compiler_params=pltpu.CompilerParams(
            dimension_semantics=("arbitrary",)),
    )(z_flat, w, wn, pen, colf)


_SC_INFO = plsc.get_sparse_core_info()
_NC = _SC_INFO.num_cores
_NS = _SC_INFO.num_subcores
_NW = _NC * _NS
_ROWS_PER_W = NT // _NW
_CHUNK = 128


_NCHUNK = _ROWS_PER_W // _CHUNK


@functools.partial(
    pl.kernel,
    out_type=jax.ShapeDtypeStruct((NT, D), jnp.float32),
    mesh=plsc.VectorSubcoreMesh(core_axis_name="c", subcore_axis_name="s"),
    scratch_types=[
        pltpu.VMEM((_NCHUNK, _CHUNK), jnp.int32),
        pltpu.VMEM((_CHUNK, D), jnp.float32),
        pltpu.VMEM((_CHUNK, D), jnp.float32),
        pltpu.SemaphoreType.DMA,
        pltpu.SemaphoreType.DMA,
    ],
)
def _sc_gather(w_hbm, idx_hbm, out_hbm, idx_v, rows0, rows1, sem0, sem1):
    wid = lax.axis_index("s") * _NC + lax.axis_index("c")
    base = wid * _ROWS_PER_W
    pltpu.sync_copy(idx_hbm.at[pl.ds(wid * _NCHUNK, _NCHUNK)], idx_v)
    bufs = (rows0, rows1)
    sems = (sem0, sem1)
    cps = [None, None]
    cps[0] = pltpu.async_copy(w_hbm.at[idx_v.at[0]], rows0, sem0)
    cps[1] = pltpu.async_copy(w_hbm.at[idx_v.at[1]], rows1, sem1)
    for c in range(_NCHUNK):
        b = c % 2
        cps[b].wait()
        pltpu.sync_copy(bufs[b], out_hbm.at[pl.ds(base + c * _CHUNK, _CHUNK)])
        if c + 2 < _NCHUNK:
            cps[b] = pltpu.async_copy(w_hbm.at[idx_v.at[c + 2]],
                                      bufs[b], sems[b])


_ST_BM = 2048


def _straight_through_body(z_ref, q_ref, o_ref):
    z = z_ref[...]
    o_ref[...] = z + (q_ref[...] - z)


def _straight_through(z_flat, z_q):
    return pl.pallas_call(
        _straight_through_body,
        grid=(NT // _ST_BM,),
        in_specs=[
            pl.BlockSpec((_ST_BM, D), lambda i: (i, 0)),
            pl.BlockSpec((_ST_BM, D), lambda i: (i, 0)),
        ],
        out_specs=pl.BlockSpec((_ST_BM, D), lambda i: (i, 0)),
        out_shape=jax.ShapeDtypeStruct((NT, D), jnp.float32),
    )(z_flat, z_q)


def kernel(z, W):
    z_flat = z.reshape(-1, D)
    wn = _codebook_norms(W)
    cols = lax.broadcasted_iota(jnp.int32, (1, K), 1)
    pen = jnp.stack([
        jnp.where((cols >= lo) & (cols < hi), 0.0, jnp.inf).reshape(K)
        for lo, hi in _GROUPS])
    colf = cols.astype(jnp.float32)
    indices, loss2d = _distance_argmin(z_flat, W, wn, pen, colf)
    z_q = _sc_gather(W, indices.reshape(NT // _CHUNK, _CHUNK))
    z_q_st = _straight_through(z_flat, z_q)
    return (z_q_st.reshape(z.shape), loss2d.reshape(()), indices)

# --- scband reference (transcript-rebuilt; emitter-appended) ---
"""Pipeline reference for scband-vector-quantizer-31172872634801 (READ-ONLY COPY).

The authoritative reference and input builder live on the scoring server;
editing this copy changes nothing except your own understanding.
"""

import jax, jax.numpy as jnp
import numpy as np

CODEBOOK_SIZE = 8192
CODE_DIM = 256
COMMITMENT_COST = 0.25


def setup_inputs(seed: int = 0) -> dict:
    key = jax.random.key(seed)
    kz, kw = jax.random.split(key)
    z = jax.random.normal(kz, (16, 32, 32, CODE_DIM), dtype=jnp.float32)
    W = jax.random.uniform(kw, (CODEBOOK_SIZE, CODE_DIM), dtype=jnp.float32,
                           minval=-1.0 / CODEBOOK_SIZE, maxval=1.0 / CODEBOOK_SIZE)
    return {"z": z, "W": W}


def reference(z, W):
    sg = jax.lax.stop_gradient
    z_flat = z.reshape(-1, CODE_DIM)
    # squared L2 distances: ||z||^2 + ||e||^2 - 2 z e^T
    d = (jnp.sum(z_flat ** 2, axis=1, keepdims=True)
         + jnp.sum(W ** 2, axis=1)
         - 2.0 * jnp.matmul(z_flat, W.T))
    min_encoding_indices = jnp.argmin(d, axis=1)
    z_q = jnp.take(W, min_encoding_indices, axis=0).reshape(z.shape)
    loss = (jnp.mean((sg(z_q) - z) ** 2)
            + COMMITMENT_COST * jnp.mean((z_q - sg(z)) ** 2))
    z_q_st = z + sg(z_q - z)
    return (z_q_st, loss, min_encoding_indices)

if __name__ == "__main__":
    import jax
    _d = setup_inputs()
    print(jax.jit(kernel)(*tuple(_d.values())))

</pallas_src>

<mosaic_0001>
#map = affine_map<(d0, d1) -> (0, 0)>
module attributes {stable_mosaic.version = 14 : i64} {
  func.func @_sc_gather(%arg0: i32, %arg1: i32, %arg2: memref<8192x256xf32, #tpu.memory_space<hbm>>, %arg3: memref<128x128xi32, #tpu.memory_space<hbm>>, %arg4: memref<16384x256xf32, #tpu.memory_space<hbm>>, %arg5: memref<4x128xi32, #tpu.memory_space<vmem>>, %arg6: memref<128x256xf32, #tpu.memory_space<vmem>>, %arg7: memref<128x256xf32, #tpu.memory_space<vmem>>, %arg8: memref<!tpu.dma_semaphore, #tpu.memory_space<semaphore_mem>>, %arg9: memref<!tpu.dma_semaphore, #tpu.memory_space<semaphore_mem>>) attributes {dimension_semantics = [#tpu.dimension_semantics<core_parallel>, #tpu.dimension_semantics<subcore_parallel>], iteration_bounds = array<i64: 2, 16>, scalar_prefetch = 0 : i64, scratch_operands = 5 : i64, tpu.core_type = #tpu.core_type<sc_vector_subcore>, window_params = [{transform_indices = #map}, {transform_indices = #map}, {transform_indices = #map}]} {
    %mul3A = arith.constant 2 : i32
    %mul3A_0 = arith.muli %arg1, %mul3A : i32
    %add3A = arith.addi %mul3A_0, %arg0 : i32
    %mul3A_1 = arith.constant 512 : i32
    %mul3A_2 = arith.muli %add3A, %mul3A_1 : i32
    %mul3A_3 = arith.constant 4 : i32
    %mul3A_4 = arith.muli %add3A, %mul3A_3 : i32
    "tpu.region"() ({
      %run_scoped3A = tpu.sem_alloc : memref<!tpu.dma_semaphore, #tpu.memory_space<semaphore_mem>>
      %dma_start3A_67 = arith.constant 0 : i32
      %dma_start3A_68 = tpu.memref_slice %arg3[%mul3A_4, %dma_start3A_67] : memref<128x128xi32, #tpu.memory_space<hbm>> -> memref<4x128xi32, #tpu.memory_space<hbm>>
      %dma_start3A_69 = arith.constant 0 : i32
      %dma_start3A_70 = tpu.memref_slice %arg3[%mul3A_4, %dma_start3A_69] : memref<128x128xi32, #tpu.memory_space<hbm>> -> memref<4x128xi32, #tpu.memory_space<hbm>>
      tpu.enqueue_dma source(%dma_start3A_70 : memref<4x128xi32, #tpu.memory_space<hbm>>) target(%arg5 : memref<4x128xi32, #tpu.memory_space<vmem>>) target_semaphore(%run_scoped3A : memref<!tpu.dma_semaphore, #tpu.memory_space<semaphore_mem>>)
      %dma_wait3A_71 = arith.constant 0 : i32
      %dma_wait3A_72 = tpu.memref_slice %arg3[%mul3A_4, %dma_wait3A_71] : memref<128x128xi32, #tpu.memory_space<hbm>> -> memref<4x128xi32, #tpu.memory_space<hbm>>
      %dma_wait3A_73 = arith.constant 0 : i32
      %dma_wait3A_74 = tpu.memref_slice %arg3[%mul3A_4, %dma_wait3A_73] : memref<128x128xi32, #tpu.memory_space<hbm>> -> memref<4x128xi32, #tpu.memory_space<hbm>>
      tpu.wait_dma2 semaphore(%run_scoped3A : memref<!tpu.dma_semaphore, #tpu.memory_space<semaphore_mem>>) src(%dma_wait3A_74 : memref<4x128xi32, #tpu.memory_space<hbm>>) dst(%arg5 : memref<4x128xi32, #tpu.memory_space<vmem>>)
      tpu.yield
    }) : () -> ()
    %dma_start3A = arith.constant 0 : i32
    %dma_start3A_5 = arith.constant 0 : i32
    %dma_start3A_6 = tpu.memref_slice %arg5[%dma_start3A, %dma_start3A_5] : memref<4x128xi32, #tpu.memory_space<vmem>> -> memref<1x128xi32, #tpu.memory_space<vmem>>
    %dma_start3A_7 = tpu.memref_squeeze %dma_start3A_6 : memref<1x128xi32, #tpu.memory_space<vmem>> -> memref<128xi32, #tpu.memory_space<vmem>>
    %dma_start3A_8 = arith.constant 0 : i32
    %dma_start3A_9 = arith.constant 0 : i32
    %dma_start3A_10 = tpu.memref_slice %arg2[%dma_start3A_8, %dma_start3A_9] : memref<8192x256xf32, #tpu.memory_space<hbm>> -> memref<8192x256xf32, #tpu.memory_space<hbm>>
    tpu.enqueue_indirect_dma source(%dma_start3A_10 : memref<8192x256xf32, #tpu.memory_space<hbm>>) target(%arg6 : memref<128x256xf32, #tpu.memory_space<vmem>>) offsets(%dma_start3A_7 : memref<128xi32, #tpu.memory_space<vmem>>) semaphore(%arg8 : memref<!tpu.dma_semaphore, #tpu.memory_space<semaphore_mem>>)
    %dma_start3A_11 = arith.constant 1 : i32
    %dma_start3A_12 = arith.constant 0 : i32
    %dma_start3A_13 = tpu.memref_slice %arg5[%dma_start3A_11, %dma_start3A_12] : memref<4x128xi32, #tpu.memory_space<vmem>> -> memref<1x128xi32, #tpu.memory_space<vmem>>
    %dma_start3A_14 = tpu.memref_squeeze %dma_start3A_13 : memref<1x128xi32, #tpu.memory_space<vmem>> -> memref<128xi32, #tpu.memory_space<vmem>>
    %dma_start3A_15 = arith.constant 0 : i32
    %dma_start3A_16 = arith.constant 0 : i32
    %dma_start3A_17 = tpu.memref_slice %arg2[%dma_start3A_15, %dma_start3A_16] : memref<8192x256xf32, #tpu.memory_space<hbm>> -> memref<8192x256xf32, #tpu.memory_space<hbm>>
    tpu.enqueue_indirect_dma source(%dma_start3A_17 : memref<8192x256xf32, #tpu.memory_space<hbm>>) target(%arg7 : memref<128x256xf32, #tpu.memory_space<vmem>>) offsets(%dma_start3A_14 : memref<128xi32, #tpu.memory_space<vmem>>) semaphore(%arg9 : memref<!tpu.dma_semaphore, #tpu.memory_space<semaphore_mem>>)
    %dma_wait3A = arith.constant 0 : i32
    %dma_wait3A_18 = arith.constant 0 : i32
    %dma_wait3A_19 = tpu.memref_slice %arg5[%dma_wait3A, %dma_wait3A_18] : memref<4x128xi32, #tpu.memory_space<vmem>> -> memref<1x128xi32, #tpu.memory_space<vmem>>
    %dma_wait3A_20 = tpu.memref_squeeze %dma_wait3A_19 : memref<1x128xi32, #tpu.memory_space<vmem>> -> memref<128xi32, #tpu.memory_space<vmem>>
    %dma_wait3A_21 = arith.constant 0 : i32
    %dma_wait3A_22 = arith.constant 0 : i32
    %dma_wait3A_23 = tpu.memref_slice %arg2[%dma_wait3A_21, %dma_wait3A_22] : memref<8192x256xf32, #tpu.memory_space<hbm>> -> memref<8192x256xf32, #tpu.memory_space<hbm>>
    tpu.wait_indirect_dma semaphore(%arg8 : memref<!tpu.dma_semaphore, #tpu.memory_space<semaphore_mem>>) src(%dma_wait3A_23 : memref<8192x256xf32, #tpu.memory_space<hbm>>) dst(%arg6 : memref<128x256xf32, #tpu.memory_space<vmem>>)
    %add3A_24 = arith.constant 0 : i32
    %add3A_25 = arith.addi %mul3A_2, %add3A_24 : i32
    "tpu.region"() ({
      %run_scoped3A = tpu.sem_alloc : memref<!tpu.dma_semaphore, #tpu.memory_space<semaphore_mem>>
      %dma_start3A_67 = arith.constant 0 : i32
      %dma_start3A_68 = tpu.memref_slice %arg4[%add3A_25, %dma_start3A_67] : memref<16384x256xf32, #tpu.memory_space<hbm>> -> memref<128x256xf32, #tpu.memory_space<hbm>>
      %dma_start3A_69 = arith.constant 0 : i32
      %dma_start3A_70 = tpu.memref_slice %arg4[%add3A_25, %dma_start3A_69] : memref<16384x256xf32, #tpu.memory_space<hbm>> -> memref<128x256xf32, #tpu.memory_space<hbm>>
      tpu.enqueue_dma source(%arg6 : memref<128x256xf32, #tpu.memory_space<vmem>>) target(%dma_start3A_70 : memref<128x256xf32, #tpu.memory_space<hbm>>) target_semaphore(%run_scoped3A : memref<!tpu.dma_semaphore, #tpu.memory_space<semaphore_mem>>)
      %dma_wait3A_71 = arith.constant 0 : i32
      %dma_wait3A_72 = tpu.memref_slice %arg4[%add3A_25, %dma_wait3A_71] : memref<16384x256xf32, #tpu.memory_space<hbm>> -> memref<128x256xf32, #tpu.memory_space<hbm>>
      %dma_wait3A_73 = arith.constant 0 : i32
      %dma_wait3A_74 = tpu.memref_slice %arg4[%add3A_25, %dma_wait3A_73] : memref<16384x256xf32, #tpu.memory_space<hbm>> -> memref<128x256xf32, #tpu.memory_space<hbm>>
      tpu.wait_dma2 semaphore(%run_scoped3A : memref<!tpu.dma_semaphore, #tpu.memory_space<semaphore_mem>>) src(%arg6 : memref<128x256xf32, #tpu.memory_space<vmem>>) dst(%dma_wait3A_74 : memref<128x256xf32, #tpu.memory_space<hbm>>)
      tpu.yield
    }) : () -> ()
    %dma_start3A_26 = arith.constant 2 : i32
    %dma_start3A_27 = arith.constant 0 : i32
    %dma_start3A_28 = tpu.memref_slice %arg5[%dma_start3A_26, %dma_start3A_27] : memref<4x128xi32, #tpu.memory_space<vmem>> -> memref<1x128xi32, #tpu.memory_space<vmem>>
    %dma_start3A_29 = tpu.memref_squeeze %dma_start3A_28 : memref<1x128xi32, #tpu.memory_space<vmem>> -> memref<128xi32, #tpu.memory_space<vmem>>
    %dma_start3A_30 = arith.constant 0 : i32
    %dma_start3A_31 = arith.constant 0 : i32
    %dma_start3A_32 = tpu.memref_slice %arg2[%dma_start3A_30, %dma_start3A_31] : memref<8192x256xf32, #tpu.memory_space<hbm>> -> memref<8192x256xf32, #tpu.memory_space<hbm>>
    tpu.enqueue_indirect_dma source(%dma_start3A_32 : memref<8192x256xf32, #tpu.memory_space<hbm>>) target(%arg6 : memref<128x256xf32, #tpu.memory_space<vmem>>) offsets(%dma_start3A_29 : memref<128xi32, #tpu.memory_space<vmem>>) semaphore(%arg8 : memref<!tpu.dma_semaphore, #tpu.memory_space<semaphore_mem>>)
    %dma_wait3A_33 = arith.constant 1 : i32
    %dma_wait3A_34 = arith.constant 0 : i32
    %dma_wait3A_35 = tpu.memref_slice %arg5[%dma_wait3A_33, %dma_wait3A_34] : memref<4x128xi32, #tpu.memory_space<vmem>> -> memref<1x128xi32, #tpu.memory_space<vmem>>
    %dma_wait3A_36 = tpu.memref_squeeze %dma_wait3A_35 : memref<1x128xi32, #tpu.memory_space<vmem>> -> memref<128xi32, #tpu.memory_space<vmem>>
    %dma_wait3A_37 = arith.constant 0 : i32
    %dma_wait3A_38 = arith.constant 0 : i32
    %dma_wait3A_39 = tpu.memref_slice %arg2[%dma_wait3A_37, %dma_wait3A_38] : memref<8192x256xf32, #tpu.memory_space<hbm>> -> memref<8192x256xf32, #tpu.memory_space<hbm>>
    tpu.wait_indirect_dma semaphore(%arg9 : memref<!tpu.dma_semaphore, #tpu.memory_space<semaphore_mem>>) src(%dma_wait3A_39 : memref<8192x256xf32, #tpu.memory_space<hbm>>) dst(%arg7 : memref<128x256xf32, #tpu.memory_space<vmem>>)
    %add3A_40 = arith.constant 128 : i32
    %add3A_41 = arith.addi %mul3A_2, %add3A_40 : i32
    "tpu.region"() ({
      %run_scoped3A = tpu.sem_alloc : memref<!tpu.dma_semaphore, #tpu.memory_space<semaphore_mem>>
      %dma_start3A_67 = arith.constant 0 : i32
      %dma_start3A_68 = tpu.memref_slice %arg4[%add3A_41, %dma_start3A_67] : memref<16384x256xf32, #tpu.memory_space<hbm>> -> memref<128x256xf32, #tpu.memory_space<hbm>>
      %dma_start3A_69 = arith.constant 0 : i32
      %dma_start3A_70 = tpu.memref_slice %arg4[%add3A_41, %dma_start3A_69] : memref<16384x256xf32, #tpu.memory_space<hbm>> -> memref<128x256xf32, #tpu.memory_space<hbm>>
      tpu.enqueue_dma source(%arg7 : memref<128x256xf32, #tpu.memory_space<vmem>>) target(%dma_start3A_70 : memref<128x256xf32, #tpu.memory_space<hbm>>) target_semaphore(%run_scoped3A : memref<!tpu.dma_semaphore, #tpu.memory_space<semaphore_mem>>)
      %dma_wait3A_71 = arith.constant 0 : i32
      %dma_wait3A_72 = tpu.memref_slice %arg4[%add3A_41, %dma_wait3A_71] : memref<16384x256xf32, #tpu.memory_space<hbm>> -> memref<128x256xf32, #tpu.memory_space<hbm>>
      %dma_wait3A_73 = arith.constant 0 : i32
      %dma_wait3A_74 = tpu.memref_slice %arg4[%add3A_41, %dma_wait3A_73] : memref<16384x256xf32, #tpu.memory_space<hbm>> -> memref<128x256xf32, #tpu.memory_space<hbm>>
      tpu.wait_dma2 semaphore(%run_scoped3A : memref<!tpu.dma_semaphore, #tpu.memory_space<semaphore_mem>>) src(%arg7 : memref<128x256xf32, #tpu.memory_space<vmem>>) dst(%dma_wait3A_74 : memref<128x256xf32, #tpu.memory_space<hbm>>)
      tpu.yield
    }) : () -> ()
    %dma_start3A_42 = arith.constant 3 : i32
    %dma_start3A_43 = arith.constant 0 : i32
    %dma_start3A_44 = tpu.memref_slice %arg5[%dma_start3A_42, %dma_start3A_43] : memref<4x128xi32, #tpu.memory_space<vmem>> -> memref<1x128xi32, #tpu.memory_space<vmem>>
    %dma_start3A_45 = tpu.memref_squeeze %dma_start3A_44 : memref<1x128xi32, #tpu.memory_space<vmem>> -> memref<128xi32, #tpu.memory_space<vmem>>
    %dma_start3A_46 = arith.constant 0 : i32
    %dma_start3A_47 = arith.constant 0 : i32
    %dma_start3A_48 = tpu.memref_slice %arg2[%dma_start3A_46, %dma_start3A_47] : memref<8192x256xf32, #tpu.memory_space<hbm>> -> memref<8192x256xf32, #tpu.memory_space<hbm>>
    tpu.enqueue_indirect_dma source(%dma_start3A_48 : memref<8192x256xf32, #tpu.memory_space<hbm>>) target(%arg7 : memref<128x256xf32, #tpu.memory_space<vmem>>) offsets(%dma_start3A_45 : memref<128xi32, #tpu.memory_space<vmem>>) semaphore(%arg9 : memref<!tpu.dma_semaphore, #tpu.memory_space<semaphore_mem>>)
    %dma_wait3A_49 = arith.constant 2 : i32
    %dma_wait3A_50 = arith.constant 0 : i32
    %dma_wait3A_51 = tpu.memref_slice %arg5[%dma_wait3A_49, %dma_wait3A_50] : memref<4x128xi32, #tpu.memory_space<vmem>> -> memref<1x128xi32, #tpu.memory_space<vmem>>
    %dma_wait3A_52 = tpu.memref_squeeze %dma_wait3A_51 : memref<1x128xi32, #tpu.memory_space<vmem>> -> memref<128xi32, #tpu.memory_space<vmem>>
    %dma_wait3A_53 = arith.constant 0 : i32
    %dma_wait3A_54 = arith.constant 0 : i32
    %dma_wait3A_55 = tpu.memref_slice %arg2[%dma_wait3A_53, %dma_wait3A_54] : memref<8192x256xf32, #tpu.memory_space<hbm>> -> memref<8192x256xf32, #tpu.memory_space<hbm>>
    tpu.wait_indirect_dma semaphore(%arg8 : memref<!tpu.dma_semaphore, #tpu.memory_space<semaphore_mem>>) src(%dma_wait3A_55 : memref<8192x256xf32, #tpu.memory_space<hbm>>) dst(%arg6 : memref<128x256xf32, #tpu.memory_space<vmem>>)
    %add3A_56 = arith.constant 256 : i32
    %add3A_57 = arith.addi %mul3A_2, %add3A_56 : i32
    "tpu.region"() ({
      %run_scoped3A = tpu.sem_alloc : memref<!tpu.dma_semaphore, #tpu.memory_space<semaphore_mem>>
      %dma_start3A_67 = arith.constant 0 : i32
      %dma_start3A_68 = tpu.memref_slice %arg4[%add3A_57, %dma_start3A_67] : memref<16384x256xf32, #tpu.memory_space<hbm>> -> memref<128x256xf32, #tpu.memory_space<hbm>>
      %dma_start3A_69 = arith.constant 0 : i32
      %dma_start3A_70 = tpu.memref_slice %arg4[%add3A_57, %dma_start3A_69] : memref<16384x256xf32, #tpu.memory_space<hbm>> -> memref<128x256xf32, #tpu.memory_space<hbm>>
      tpu.enqueue_dma source(%arg6 : memref<128x256xf32, #tpu.memory_space<vmem>>) target(%dma_start3A_70 : memref<128x256xf32, #tpu.memory_space<hbm>>) target_semaphore(%run_scoped3A : memref<!tpu.dma_semaphore, #tpu.memory_space<semaphore_mem>>)
      %dma_wait3A_71 = arith.constant 0 : i32
      %dma_wait3A_72 = tpu.memref_slice %arg4[%add3A_57, %dma_wait3A_71] : memref<16384x256xf32, #tpu.memory_space<hbm>> -> memref<128x256xf32, #tpu.memory_space<hbm>>
      %dma_wait3A_73 = arith.constant 0 : i32
      %dma_wait3A_74 = tpu.memref_slice %arg4[%add3A_57, %dma_wait3A_73] : memref<16384x256xf32, #tpu.memory_space<hbm>> -> memref<128x256xf32, #tpu.memory_space<hbm>>
      tpu.wait_dma2 semaphore(%run_scoped3A : memref<!tpu.dma_semaphore, #tpu.memory_space<semaphore_mem>>) src(%arg6 : memref<128x256xf32, #tpu.memory_space<vmem>>) dst(%dma_wait3A_74 : memref<128x256xf32, #tpu.memory_space<hbm>>)
      tpu.yield
    }) : () -> ()
    %dma_wait3A_58 = arith.constant 3 : i32
    %dma_wait3A_59 = arith.constant 0 : i32
    %dma_wait3A_60 = tpu.memref_slice %arg5[%dma_wait3A_58, %dma_wait3A_59] : memref<4x128xi32, #tpu.memory_space<vmem>> -> memref<1x128xi32, #tpu.memory_space<vmem>>
    %dma_wait3A_61 = tpu.memref_squeeze %dma_wait3A_60 : memref<1x128xi32, #tpu.memory_space<vmem>> -> memref<128xi32, #tpu.memory_space<vmem>>
    %dma_wait3A_62 = arith.constant 0 : i32
    %dma_wait3A_63 = arith.constant 0 : i32
    %dma_wait3A_64 = tpu.memref_slice %arg2[%dma_wait3A_62, %dma_wait3A_63] : memref<8192x256xf32, #tpu.memory_space<hbm>> -> memref<8192x256xf32, #tpu.memory_space<hbm>>
    tpu.wait_indirect_dma semaphore(%arg9 : memref<!tpu.dma_semaphore, #tpu.memory_space<semaphore_mem>>) src(%dma_wait3A_64 : memref<8192x256xf32, #tpu.memory_space<hbm>>) dst(%arg7 : memref<128x256xf32, #tpu.memory_space<vmem>>)
    %add3A_65 = arith.constant 384 : i32
    %add3A_66 = arith.addi %mul3A_2, %add3A_65 : i32
    "tpu.region"() ({
      %run_scoped3A = tpu.sem_alloc : memref<!tpu.dma_semaphore, #tpu.memory_space<semaphore_mem>>
      %dma_start3A_67 = arith.constant 0 : i32
      %dma_start3A_68 = tpu.memref_slice %arg4[%add3A_66, %dma_start3A_67] : memref<16384x256xf32, #tpu.memory_space<hbm>> -> memref<128x256xf32, #tpu.memory_space<hbm>>
      %dma_start3A_69 = arith.constant 0 : i32
      %dma_start3A_70 = tpu.memref_slice %arg4[%add3A_66, %dma_start3A_69] : memref<16384x256xf32, #tpu.memory_space<hbm>> -> memref<128x256xf32, #tpu.memory_space<hbm>>
      tpu.enqueue_dma source(%arg7 : memref<128x256xf32, #tpu.memory_space<vmem>>) target(%dma_start3A_70 : memref<128x256xf32, #tpu.memory_space<hbm>>) target_semaphore(%run_scoped3A : memref<!tpu.dma_semaphore, #tpu.memory_space<semaphore_mem>>)
      %dma_wait3A_71 = arith.constant 0 : i32
      %dma_wait3A_72 = tpu.memref_slice %arg4[%add3A_66, %dma_wait3A_71] : memref<16384x256xf32, #tpu.memory_space<hbm>> -> memref<128x256xf32, #tpu.memory_space<hbm>>
      %dma_wait3A_73 = arith.constant 0 : i32
      %dma_wait3A_74 = tpu.memref_slice %arg4[%add3A_66, %dma_wait3A_73] : memref<16384x256xf32, #tpu.memory_space<hbm>> -> memref<128x256xf32, #tpu.memory_space<hbm>>
      tpu.wait_dma2 semaphore(%run_scoped3A : memref<!tpu.dma_semaphore, #tpu.memory_space<semaphore_mem>>) src(%arg7 : memref<128x256xf32, #tpu.memory_space<vmem>>) dst(%dma_wait3A_74 : memref<128x256xf32, #tpu.memory_space<hbm>>)
      tpu.yield
    }) : () -> ()
    return
  }
}

module attributes {stable_mosaic.version = 14 : i64} {
  func.func @_distance_argmin_body(%arg0: i32, %arg1: memref<512x256xf32, #tpu.memory_space<vmem>>, %arg2: memref<8192x256xf32, #tpu.memory_space<vmem>>, %arg3: memref<1x8192xf32, #tpu.memory_space<vmem>>, %arg4: memref<3x8192xf32, #tpu.memory_space<vmem>>, %arg5: memref<1x8192xf32, #tpu.memory_space<vmem>>, %arg6: memref<512xi32, #tpu.memory_space<vmem>>, %arg7: memref<1x1xf32, #tpu.memory_space<smem>>, %arg8: memref<1x1xf32, #tpu.memory_space<smem>>) attributes {dimension_semantics = [#tpu.dimension_semantics<arbitrary>], iteration_bounds = array<i64: 32>, scalar_prefetch = 0 : i64, scratch_operands = 1 : i64, tpu.core_type = #tpu.core_type<tc>, window_params = [{transform_indices = @transform_0, window_bounds = array<i64: 512, 256>}, {pipeline_mode = #tpu.pipeline_mode<synchronous>, transform_indices = @transform_1, window_bounds = array<i64: 8192, 256>}, {pipeline_mode = #tpu.pipeline_mode<synchronous>, transform_indices = @transform_2, window_bounds = array<i64: 1, 8192>}, {pipeline_mode = #tpu.pipeline_mode<synchronous>, transform_indices = @transform_3, window_bounds = array<i64: 3, 8192>}, {pipeline_mode = #tpu.pipeline_mode<synchronous>, transform_indices = @transform_4, window_bounds = array<i64: 1, 8192>}, {transform_indices = @transform_5, window_bounds = array<i64: 512>}, {transform_indices = @transform_6, window_bounds = array<i64: 1, 1>}]} {
    %eq3A = arith.constant 0 : i32
    %eq3A_0 = arith.cmpi eq, %arg0, %eq3A : i32
    %convert_element_type3A = arith.extui %eq3A_0 : i1 to i32
    %cond3A = arith.constant 0 : i32
    %cond3A_1 = arith.cmpi ne, %convert_element_type3A, %cond3A : i32
    scf.if %cond3A_1 {
      %swap3A_108 = arith.constant 0.000000e+00 : f32
      %swap3A_109 = arith.constant 0 : index
      %swap3A_110 = arith.constant 0 : index
      %swap3A_111 = memref.load %arg8[%swap3A_109, %swap3A_110] : memref<1x1xf32, #tpu.memory_space<smem>>
      memref.store %swap3A_108, %arg8[%swap3A_109, %swap3A_110] : memref<1x1xf32, #tpu.memory_space<smem>>
    } else {
    }
    %get3A = arith.constant 0 : index
    %get3A_2 = arith.constant 0 : index
    %get3A_3 = vector.load %arg1[%get3A, %get3A_2] : memref<512x256xf32, #tpu.memory_space<vmem>>, vector<512x256xf32>
    %add3A = arith.addf %get3A_3, %get3A_3 : vector<512x256xf32>
    %get3A_4 = arith.constant 0 : index
    %get3A_5 = arith.constant 0 : index
    %get3A_6 = vector.load %arg2[%get3A_4, %get3A_5] : memref<8192x256xf32, #tpu.memory_space<vmem>>, vector<8192x256xf32>
    %dot_general3A = arith.constant dense<0.000000e+00> : vector<512x8192xf32>
    %dot_general3A_7 = tpu.matmul %add3A, %get3A_6, %dot_general3A {dimension_numbers = #tpu.dot_dimension_numbers<[1], [1], [0], [0], [0, 0, 1, 0], [], []>, transpose_lhs_hint = false} : vector<512x256xf32>, vector<8192x256xf32>, vector<512x8192xf32> -> vector<512x8192xf32>
    %mul3A = arith.mulf %get3A_3, %get3A_3 : vector<512x256xf32>
    %reduce_sum3A = arith.constant dense<0.000000e+00> : vector<512xf32>
    %reduce_sum3A_8 = vector.multi_reduction <add>, %mul3A, %reduce_sum3A [1] : vector<512x256xf32> to vector<512xf32>
    %broadcast_in_dim3A = vector.shape_cast %reduce_sum3A_8 : vector<512xf32> to vector<512x1xf32>
    %get3A_9 = arith.constant 0 : index
    %get3A_10 = arith.constant 0 : index
    %get3A_11 = vector.load %arg3[%get3A_9, %get3A_10] : memref<1x8192xf32, #tpu.memory_space<vmem>>, vector<1x8192xf32>
    %add3A_12 = vector.broadcast %broadcast_in_dim3A : vector<512x1xf32> to vector<512x8192xf32>
    %add3A_13 = vector.broadcast %get3A_11 : vector<1x8192xf32> to vector<512x8192xf32>
    %add3A_14 = arith.addf %add3A_12, %add3A_13 : vector<512x8192xf32>
    %sub3A = arith.subf %add3A_14, %dot_general3A_7 : vector<512x8192xf32>
    %slice3A = vector.extract_strided_slice %sub3A {offsets = [0, 0], sizes = [512, 2816], strides = [1, 1]} : vector<512x8192xf32> to vector<512x2816xf32>
    %get3A_15 = arith.constant 0 : index
    %get3A_16 = arith.constant 0 : index
    %get3A_17 = vector.load %arg4[%get3A_15, %get3A_16] : memref<3x8192xf32, #tpu.memory_space<vmem>>, vector<1x2816xf32>
    %get3A_18 = vector.shape_cast %get3A_17 : vector<1x2816xf32> to vector<1x2816xf32>
    %add3A_19 = vector.broadcast %get3A_18 : vector<1x2816xf32> to vector<512x2816xf32>
    %add3A_20 = arith.addf %slice3A, %add3A_19 : vector<512x2816xf32>
    %reduce_min3A = arith.constant dense<0x7F800000> : vector<512xf32>
    %reduce_min3A_21 = vector.multi_reduction <minimumf>, %add3A_20, %reduce_min3A [1] : vector<512x2816xf32> to vector<512xf32>
    %broadcast_in_dim3A_22 = vector.shape_cast %reduce_min3A_21 : vector<512xf32> to vector<512x1xf32>
    %eq3A_23 = vector.broadcast %broadcast_in_dim3A_22 : vector<512x1xf32> to vector<512x2816xf32>
    %eq3A_24 = arith.cmpf oeq, %add3A_20, %eq3A_23 : vector<512x2816xf32>
    %get3A_25 = arith.constant 0 : index
    %get3A_26 = arith.constant 0 : index
    %get3A_27 = vector.load %arg5[%get3A_25, %get3A_26] : memref<1x8192xf32, #tpu.memory_space<vmem>>, vector<1x2816xf32>
    %jit3A = arith.constant 8.192000e+03 : f32
    %broadcast_in_dim3A_28 = vector.shape_cast %get3A_27 : vector<1x2816xf32> to vector<1x2816xf32>
    %broadcast_in_dim3A_29 = vector.broadcast %broadcast_in_dim3A_28 : vector<1x2816xf32> to vector<512x2816xf32>
    %broadcast_in_dim3A_30 = vector.broadcast %jit3A : f32 to vector<512x2816xf32>
    %select_n3A = arith.select %eq3A_24, %broadcast_in_dim3A_29, %broadcast_in_dim3A_30 : vector<512x2816xi1>, vector<512x2816xf32>
    %reduce_min3A_31 = arith.constant dense<0x7F800000> : vector<512xf32>
    %reduce_min3A_32 = vector.multi_reduction <minimumf>, %select_n3A, %reduce_min3A_31 [1] : vector<512x2816xf32> to vector<512xf32>
    %broadcast_in_dim3A_33 = vector.shape_cast %reduce_min3A_32 : vector<512xf32> to vector<512x1xf32>
    %slice3A_34 = vector.extract_strided_slice %sub3A {offsets = [0, 2688], sizes = [512, 2816], strides = [1, 1]} : vector<512x8192xf32> to vector<512x2816xf32>
    %get3A_35 = arith.constant 1 : index
    %get3A_36 = arith.constant 2688 : index
    %get3A_37 = vector.load %arg4[%get3A_35, %get3A_36] : memref<3x8192xf32, #tpu.memory_space<vmem>>, vector<1x2816xf32>
    %get3A_38 = vector.shape_cast %get3A_37 : vector<1x2816xf32> to vector<1x2816xf32>
    %add3A_39 = vector.broadcast %get3A_38 : vector<1x2816xf32> to vector<512x2816xf32>
    %add3A_40 = arith.addf %slice3A_34, %add3A_39 : vector<512x2816xf32>
    %reduce_min3A_41 = arith.constant dense<0x7F800000> : vector<512xf32>
    %reduce_min3A_42 = vector.multi_reduction <minimumf>, %add3A_40, %reduce_min3A_41 [1] : vector<512x2816xf32> to vector<512xf32>
    %broadcast_in_dim3A_43 = vector.shape_cast %reduce_min3A_42 : vector<512xf32> to vector<512x1xf32>
    %eq3A_44 = vector.broadcast %broadcast_in_dim3A_43 : vector<512x1xf32> to vector<512x2816xf32>
    %eq3A_45 = arith.cmpf oeq, %add3A_40, %eq3A_44 : vector<512x2816xf32>
    %get3A_46 = arith.constant 0 : index
    %get3A_47 = arith.constant 2688 : index
    %get3A_48 = vector.load %arg5[%get3A_46, %get3A_47] : memref<1x8192xf32, #tpu.memory_space<vmem>>, vector<1x2816xf32>
    %jit3A_49 = arith.constant 8.192000e+03 : f32
    %broadcast_in_dim3A_50 = vector.shape_cast %get3A_48 : vector<1x2816xf32> to vector<1x2816xf32>
    %broadcast_in_dim3A_51 = vector.broadcast %broadcast_in_dim3A_50 : vector<1x2816xf32> to vector<512x2816xf32>
    %broadcast_in_dim3A_52 = vector.broadcast %jit3A_49 : f32 to vector<512x2816xf32>
    %select_n3A_53 = arith.select %eq3A_45, %broadcast_in_dim3A_51, %broadcast_in_dim3A_52 : vector<512x2816xi1>, vector<512x2816xf32>
    %reduce_min3A_54 = arith.constant dense<0x7F800000> : vector<512xf32>
    %reduce_min3A_55 = vector.multi_reduction <minimumf>, %select_n3A_53, %reduce_min3A_54 [1] : vector<512x2816xf32> to vector<512xf32>
    %broadcast_in_dim3A_56 = vector.shape_cast %reduce_min3A_55 : vector<512xf32> to vector<512x1xf32>
    %convert_element_type3A_57 = arith.truncf %broadcast_in_dim3A_22 : vector<512x1xf32> to vector<512x1xbf16>
    %convert_element_type3A_58 = arith.extf %convert_element_type3A_57 : vector<512x1xbf16> to vector<512x1xf32>
    %lt3A = arith.cmpf olt, %broadcast_in_dim3A_43, %convert_element_type3A_58 : vector<512x1xf32>
    %select_n3A_59 = arith.select %lt3A, %broadcast_in_dim3A_43, %broadcast_in_dim3A_22 : vector<512x1xi1>, vector<512x1xf32>
    %select_n3A_60 = arith.select %lt3A, %broadcast_in_dim3A_56, %broadcast_in_dim3A_33 : vector<512x1xi1>, vector<512x1xf32>
    %slice3A_61 = vector.extract_strided_slice %sub3A {offsets = [0, 5376], sizes = [512, 2816], strides = [1, 1]} : vector<512x8192xf32> to vector<512x2816xf32>
    %get3A_62 = arith.constant 2 : index
    %get3A_63 = arith.constant 5376 : index
    %get3A_64 = vector.load %arg4[%get3A_62, %get3A_63] : memref<3x8192xf32, #tpu.memory_space<vmem>>, vector<1x2816xf32>
    %get3A_65 = vector.shape_cast %get3A_64 : vector<1x2816xf32> to vector<1x2816xf32>
    %add3A_66 = vector.broadcast %get3A_65 : vector<1x2816xf32> to vector<512x2816xf32>
    %add3A_67 = arith.addf %slice3A_61, %add3A_66 : vector<512x2816xf32>
    %reduce_min3A_68 = arith.constant dense<0x7F800000> : vector<512xf32>
    %reduce_min3A_69 = vector.multi_reduction <minimumf>, %add3A_67, %reduce_min3A_68 [1] : vector<512x2816xf32> to vector<512xf32>
    %broadcast_in_dim3A_70 = vector.shape_cast %reduce_min3A_69 : vector<512xf32> to vector<512x1xf32>
    %eq3A_71 = vector.broadcast %broadcast_in_dim3A_70 : vector<512x1xf32> to vector<512x2816xf32>
    %eq3A_72 = arith.cmpf oeq, %add3A_67, %eq3A_71 : vector<512x2816xf32>
    %get3A_73 = arith.constant 0 : index
    %get3A_74 = arith.constant 5376 : index
    %get3A_75 = vector.load %arg5[%get3A_73, %get3A_74] : memref<1x8192xf32, #tpu.memory_space<vmem>>, vector<1x2816xf32>
    %jit3A_76 = arith.constant 8.192000e+03 : f32
    %broadcast_in_dim3A_77 = vector.shape_cast %get3A_75 : vector<1x2816xf32> to vector<1x2816xf32>
    %broadcast_in_dim3A_78 = vector.broadcast %broadcast_in_dim3A_77 : vector<1x2816xf32> to vector<512x2816xf32>
    %broadcast_in_dim3A_79 = vector.broadcast %jit3A_76 : f32 to vector<512x2816xf32>
    %select_n3A_80 = arith.select %eq3A_72, %broadcast_in_dim3A_78, %broadcast_in_dim3A_79 : vector<512x2816xi1>, vector<512x2816xf32>
    %reduce_min3A_81 = arith.constant dense<0x7F800000> : vector<512xf32>
    %reduce_min3A_82 = vector.multi_reduction <minimumf>, %select_n3A_80, %reduce_min3A_81 [1] : vector<512x2816xf32> to vector<512xf32>
    %broadcast_in_dim3A_83 = vector.shape_cast %reduce_min3A_82 : vector<512xf32> to vector<512x1xf32>
    %convert_element_type3A_84 = arith.truncf %select_n3A_59 : vector<512x1xf32> to vector<512x1xbf16>
    %convert_element_type3A_85 = arith.extf %convert_element_type3A_84 : vector<512x1xbf16> to vector<512x1xf32>
    %lt3A_86 = arith.cmpf olt, %broadcast_in_dim3A_70, %convert_element_type3A_85 : vector<512x1xf32>
    %select_n3A_87 = arith.select %lt3A_86, %broadcast_in_dim3A_70, %select_n3A_59 : vector<512x1xi1>, vector<512x1xf32>
    %select_n3A_88 = arith.select %lt3A_86, %broadcast_in_dim3A_83, %select_n3A_60 : vector<512x1xi1>, vector<512x1xf32>
    %convert_element_type3A_89 = arith.fptosi %select_n3A_88 : vector<512x1xf32> to vector<512x1xi32>
    %reshape3A = vector.shape_cast %convert_element_type3A_89 : vector<512x1xi32> to vector<512xi32>
    %swap3A = arith.constant 0 : index
    %swap3A_90 = vector.load %arg6[%swap3A] : memref<512xi32, #tpu.memory_space<vmem>>, vector<512xi32>
    tpu.vector_store %arg6[%swap3A], %reshape3A {strides = array<i32>} : memref<512xi32, #tpu.memory_space<vmem>>, vector<512xi32>,
    %get3A_91 = arith.constant 0 : index
    %get3A_92 = arith.constant 0 : index
    %get3A_93 = memref.load %arg8[%get3A_91, %get3A_92] : memref<1x1xf32, #tpu.memory_space<smem>>
    %reduce_sum3A_94 = vector.shape_cast %select_n3A_87 : vector<512x1xf32> to vector<1x512x1xf32>
    %reduce_sum3A_95 = arith.constant dense<0.000000e+00> : vector<1xf32>
    %reduce_sum3A_96 = vector.multi_reduction <add>, %reduce_sum3A_94, %reduce_sum3A_95 [1, 2] : vector<1x512x1xf32> to vector<1xf32>
    %reduce_sum3A_97 = vector.shape_cast %reduce_sum3A_96 : vector<1xf32> to vector<1x1x1xf32>
    %reduce_sum3A_98 = vector.extract %reduce_sum3A_97[0, 0, 0] : f32 from vector<1x1x1xf32>
    %add3A_99 = arith.addf %get3A_93, %reduce_sum3A_98 : f32
    %swap3A_100 = arith.constant 0 : index
    %swap3A_101 = arith.constant 0 : index
    %swap3A_102 = memref.load %arg8[%swap3A_100, %swap3A_101] : memref<1x1xf32, #tpu.memory_space<smem>>
    memref.store %add3A_99, %arg8[%swap3A_100, %swap3A_101] : memref<1x1xf32, #tpu.memory_space<smem>>
    %eq3A_103 = arith.constant 31 : i32
    %eq3A_104 = arith.cmpi eq, %arg0, %eq3A_103 : i32
    %convert_element_type3A_105 = arith.extui %eq3A_104 : i1 to i32
    %cond3A_106 = arith.constant 0 : i32
    %cond3A_107 = arith.cmpi ne, %convert_element_type3A_105, %cond3A_106 : i32
    scf.if %cond3A_107 {
      %get3A_108 = arith.constant 0 : index
      %get3A_109 = arith.constant 0 : index
      %get3A_110 = memref.load %arg8[%get3A_108, %get3A_109] : memref<1x1xf32, #tpu.memory_space<smem>>
      %mul3A_111 = arith.constant 2.98023224E-7 : f32
      %mul3A_112 = arith.mulf %get3A_110, %mul3A_111 : f32
      %swap3A_113 = arith.constant 0 : index
      %swap3A_114 = arith.constant 0 : index
      %swap3A_115 = memref.load %arg7[%swap3A_113, %swap3A_114] : memref<1x1xf32, #tpu.memory_space<smem>>
      memref.store %mul3A_112, %arg7[%swap3A_113, %swap3A_114] : memref<1x1xf32, #tpu.memory_space<smem>>
    } else {
    }
    return
  }
  func.func @transform_0(%arg0: i32) -> (i32, i32) {
    %c0_i32 = arith.constant 0 : i32
    %c0_i32_0 = arith.constant 0 : i32
    return %arg0, %c0_i32 : i32, i32
  }
  func.func @transform_1(%arg0: i32) -> (i32, i32) {
    %c0_i32 = arith.constant 0 : i32
    %c0_i32_0 = arith.constant 0 : i32
    %c0_i32_1 = arith.constant 0 : i32
    return %c0_i32, %c0_i32_0 : i32, i32
  }
  func.func @transform_2(%arg0: i32) -> (i32, i32) {
    %c0_i32 = arith.constant 0 : i32
    %c0_i32_0 = arith.constant 0 : i32
    %c0_i32_1 = arith.constant 0 : i32
    return %c0_i32, %c0_i32_0 : i32, i32
  }
  func.func @transform_3(%arg0: i32) -> (i32, i32) {
    %c0_i32 = arith.constant 0 : i32
    %c0_i32_0 = arith.constant 0 : i32
    %c0_i32_1 = arith.constant 0 : i32
    return %c0_i32, %c0_i32_0 : i32, i32
  }
  func.func @transform_4(%arg0: i32) -> (i32, i32) {
    %c0_i32 = arith.constant 0 : i32
    %c0_i32_0 = arith.constant 0 : i32
    %c0_i32_1 = arith.constant 0 : i32
    return %c0_i32, %c0_i32_0 : i32, i32
  }
  func.func @transform_5(%arg0: i32) -> i32 {
    %c0_i32 = arith.constant 0 : i32
    return %arg0 : i32
  }
  func.func @transform_6(%arg0: i32) -> (i32, i32) {
    %c0_i32 = arith.constant 0 : i32
    %c0_i32_0 = arith.constant 0 : i32
    %c0_i32_1 = arith.constant 0 : i32
    return %c0_i32, %c0_i32_0 : i32, i32
  }
}

module attributes {stable_mosaic.version = 14 : i64} {
  func.func @_wn_body(%arg0: memref<8192x256xf32, #tpu.memory_space<vmem>>, %arg1: memref<1x8192xf32, #tpu.memory_space<vmem>>) attributes {dimension_semantics = [], scalar_prefetch = 0 : i64, scratch_operands = 0 : i64, tpu.core_type = #tpu.core_type<tc>} {
    %get3A = arith.constant 0 : index
    %get3A_0 = arith.constant 0 : index
    %get3A_1 = vector.load %arg0[%get3A, %get3A_0] : memref<8192x256xf32, #tpu.memory_space<vmem>>, vector<8192x256xf32>
    %broadcast_in_dim3A = arith.constant 1.000000e+00 : f32
    %broadcast_in_dim3A_2 = vector.broadcast %broadcast_in_dim3A : f32 to vector<8x256xf32>
    %mul3A = arith.mulf %get3A_1, %get3A_1 : vector<8192x256xf32>
    %dot_general3A = arith.constant dense<0.000000e+00> : vector<8x8192xf32>
    %dot_general3A_3 = tpu.matmul %broadcast_in_dim3A_2, %mul3A, %dot_general3A {dimension_numbers = #tpu.dot_dimension_numbers<[1], [1], [0], [0], [0, 0, 1, 0], [], []>, transpose_lhs_hint = false} : vector<8x256xf32>, vector<8192x256xf32>, vector<8x8192xf32> -> vector<8x8192xf32>
    %slice3A = vector.extract_strided_slice %dot_general3A_3 {offsets = [0, 0], sizes = [1, 8192], strides = [1, 1]} : vector<8x8192xf32> to vector<1x8192xf32>
    %swap3A = arith.constant 0 : index
    %swap3A_4 = arith.constant 0 : index
    %swap3A_5 = vector.load %arg1[%swap3A, %swap3A_4] : memref<1x8192xf32, #tpu.memory_space<vmem>>, vector<1x8192xf32>
    tpu.vector_store %arg1[%swap3A, %swap3A_4], %slice3A {strides = array<i32>} : memref<1x8192xf32, #tpu.memory_space<vmem>>, vector<1x8192xf32>,
    return
  }
}

module attributes {stable_mosaic.version = 14 : i64} {
  func.func @_straight_through_body(%arg0: i32, %arg1: memref<2048x256xf32, #tpu.memory_space<vmem>>, %arg2: memref<2048x256xf32, #tpu.memory_space<vmem>>, %arg3: memref<2048x256xf32, #tpu.memory_space<vmem>>) attributes {dimension_semantics = [#tpu.dimension_semantics<arbitrary>], iteration_bounds = array<i64: 8>, scalar_prefetch = 0 : i64, scratch_operands = 0 : i64, tpu.core_type = #tpu.core_type<tc>, window_params = [{transform_indices = @transform_0, window_bounds = array<i64: 2048, 256>}, {transform_indices = @transform_1, window_bounds = array<i64: 2048, 256>}, {transform_indices = @transform_2, window_bounds = array<i64: 2048, 256>}]} {
    %get3A = arith.constant 0 : index
    %get3A_0 = arith.constant 0 : index
    %get3A_1 = vector.load %arg1[%get3A, %get3A_0] : memref<2048x256xf32, #tpu.memory_space<vmem>>, vector<2048x256xf32>
    %get3A_2 = arith.constant 0 : index
    %get3A_3 = arith.constant 0 : index
    %get3A_4 = vector.load %arg2[%get3A_2, %get3A_3] : memref<2048x256xf32, #tpu.memory_space<vmem>>, vector<2048x256xf32>
    %sub3A = arith.subf %get3A_4, %get3A_1 : vector<2048x256xf32>
    %add3A = arith.addf %get3A_1, %sub3A : vector<2048x256xf32>
    %swap3A = arith.constant 0 : index
    %swap3A_5 = arith.constant 0 : index
    %swap3A_6 = vector.load %arg3[%swap3A, %swap3A_5] : memref<2048x256xf32, #tpu.memory_space<vmem>>, vector<2048x256xf32>
    tpu.vector_store %arg3[%swap3A, %swap3A_5], %add3A {strides = array<i32>} : memref<2048x256xf32, #tpu.memory_space<vmem>>, vector<2048x256xf32>,
    return
  }
  func.func @transform_0(%arg0: i32) -> (i32, i32) {
    %c0_i32 = arith.constant 0 : i32
    %c0_i32_0 = arith.constant 0 : i32
    return %arg0, %c0_i32 : i32, i32
  }
  func.func @transform_1(%arg0: i32) -> (i32, i32) {
    %c0_i32 = arith.constant 0 : i32
    %c0_i32_0 = arith.constant 0 : i32
    return %arg0, %c0_i32 : i32, i32
  }
  func.func @transform_2(%arg0: i32) -> (i32, i32) {
    %c0_i32 = arith.constant 0 : i32
    %c0_i32_0 = arith.constant 0 : i32
    return %arg0, %c0_i32 : i32, i32
  }
}

</mosaic_0001>

<sc_bundles>
// kernel: kernel.6.cloned.1.call-start
scs
__scs_entry_jumppad:
0x0: {  	(pc) =	sbr.rel $0x88, $3  }
0x1: {  	(tag) =	ssettag $0x0;
	lr =	simm.s32 $0x1  }
0x2: {  	[smem:$0x3F9F] =	sst lr;
	_ =	strace $0xD0000000  }
0x3: {  	_ = 	snop  }
0x4: {  	_ = 	snop  }
0x5: {  	_ = 	snop  }
0x6: {  	_ = 	snop  }
0x7: {  	_ = 	snop  }
__scs_overlays_trampoline_lowered:
0x8: {  	[smem:$0x3FAE] =	sst s0  }
0x9: {  	[smem:$0x3FAF] =	sst s1  }
0xa: {  	[smem:$0x3FB0] =	sst s2  }
0xb: {  	[smem:$0x3FB1] =	sst s3  }
0xc: {  	[smem:$0x3FB2] =	sst s4  }
0xd: {  	[smem:$0x3FB3] =	sst s5  }
0xe: {  	[smem:$0x3FB4] =	sst s6  }
0xf: {  	[smem:$0x3FB5] =	sst s7  }
0x10: {  	[smem:$0x3FB6] =	sst s8  }
0x11: {  	[smem:$0x3FB7] =	sst s9;
	s0 =	simm.s32 @!p0 $0x0  }
0x12: {  	s1 =	sld [smem:$0x3F9D];
	s0 =	simm.s32 @p0 $0x1  }
0x13: {  	[smem:$0x3FB8] =	sst s0;
	s0 =	simm.s32 @!p1 $0x0  }
0x14: {  	s2 =	sld [smem:$0x3F9C];
	s0 =	simm.s32 @p1 $0x1  }
0x15: {  	[smem:$0x3FB9] =	sst s0;
	s0 =	simm.s32 @!p2 $0x0  }
0x16: {  	s3 =	sld [smem:$0x3FDB];
	s0 =	simm.s32 @p2 $0x1  }
0x17: {  	s4 =	simm.s32 $0x1BF5;
	[smem:$0x3FBB] =	sst s0  }
0x18: {  	s0 =	sld [smem:$0x3F9E];
	_ =	swait.ge [sflag:s4], $0x0  }
0x19: {  	s7 =	sld [smem:$0x3F9F]  }
0x1a: {  	s8 =	sadd.s32 $0xFFFFE003, lr  }
0x1b: {  	s9 =	sadd.s32 $0xFFFFFEF7, lr;
	s5 =	simm.s32 $0xFFFFFFFF;
	p2 =	slt.u32 s8, $0xFFFFF086  }
0x1c: {  	p1 =	slt.u32 s9, $0xF7A;
	s5 =	simm.s32 @!p2 $0x0  }
0x1d: {  	s5 =	simm.s32 @p1 $0x1;
	p0 =	seq.s32 s7, s2  }
0x1e: {  	s7 =	smul.u32 @!p0 $0xF7A, s2;
	p2 =	seq.s32 @!p0 s5, $0x0  }
0x1f: {  	s9 =	smul.u32 $0xF7A, s1;
	s8 =	simm.s32 @!p0 $0x1BF5;
	p2 =	por !p2, p0  }
0x20: {  	[sflag:s8] =	ssyncset.s32 @!p0 $0xFFFFF086;
	s6 =	sadd.s32 @!p0 s3, s7;
	s7 =	simm.s32 @!p0 $0x108  }
0x21: {  	s3 =	sadd.s32 s3, s9;
	s6 =	sadd.s32 @!p0 $0x88, s6;
	s7 =	simm.s32 @p2 $0x1082  }
0x22: {  	[simem:s7], [sflag:s8] =	dma.local @!p0 [hbm:s6], $0xF7A  }
0x23: {  	s9 =	sor.u32 $0xD0000000, s2;
	s6 =	simm.s32 $0x108;
	_ =	swait.ge @!p0 [sflag:s8], $0x0  }
0x24: {  	s3 =	sadd.s32 $0x88, s3;
	s6 =	simm.s32 @!p1 $0x1082;
	[sflag:s4] =	ssyncset.s32 $0xFFFFF086  }
0x25: {  	[simem:s6], [sflag:s4] =	dma.local [hbm:s3], $0xF7A  }
0x26: {  	[smem:$0x3F9F] =	sst s1;
	(tag) =	ssettag s2;
	_ =	strace s9  }
0x27: {  	s1 =	sld [smem:$0x3FAF]  }
0x28: {  	s2 =	sld [smem:$0x3FB0]  }
0x29: {  	s4 =	sld [smem:$0x3FB2]  }
0x2a: {  	p0 =	seq.s32 s5, $0x0;
	s5 =	sld [smem:$0x3FB3]  }
0x2b: {  	s6 =	sld [smem:$0x3FB4]  }
0x2c: {  	s7 =	sld [smem:$0x3FB5]  }
0x2d: {  	s3 =	simm.s32 $0x108;
	s8 =	sld [smem:$0x3FB6]  }
0x2e: {  	s3 =	simm.s32 @!p0 $0x1082;
	s9 =	sld [smem:$0x3FB7]  }
0x2f: {  	lr =	sadd.s32 s0, s3;
	s0 =	sld [smem:$0x3FAE]  }
0x30: {  	s3 =	sld [smem:$0x3FB1]  }
0x31: {  	[smem:$0x3FBA] =	sst s10  }
0x32: {  	s10 =	sld [smem:$0x3FB8];
	_ =	sdelay $0x3  }
0x33: {  	p0 =	seq.s32 s10, $0x1;
	s10 =	sld [smem:$0x3FBA];
	_ =	sdelay $0x3  }
0x34: {  	[smem:$0x3FBA] =	sst s10  }
0x35: {  	s10 =	sld [smem:$0x3FB9];
	_ =	sdelay $0x3  }
0x36: {  	p1 =	seq.s32 s10, $0x1;
	s10 =	sld [smem:$0x3FBA];
	_ =	sdelay $0x3  }
0x37: {  	[smem:$0x3FBA] =	sst s10  }
0x38: {  	s10 =	sld [smem:$0x3FBB]  }
0x39: {  	_ = 	snop;
	(pc) =	sbr.ind lr, $3  }
0x3a: {  	_ = 	snop  }
0x3b: {  	_ = 	snop  }
0x3c: {  	p2 =	seq.s32 s10, $0x1;
	s10 =	sld [smem:$0x3FBA]  }
0x3d: {  	_ =	shalt  }
0x3e: {  	_ =	shalt  }
0x3f: {  	_ =	shalt  }
0x40: {  	_ =	shalt  }
0x41: {  	_ =	shalt  }
0x42: {  	_ =	shalt  }
0x43: {  	_ =	shalt  }
0x44: {  	_ =	shalt  }
0x45: {  	_ =	shalt  }
0x46: {  	_ =	shalt  }
0x47: {  	_ =	shalt  }
0x48: {  	_ =	shalt  }
0x49: {  	_ =	shalt  }
0x4a: {  	_ =	shalt  }
0x4b: {  	_ =	shalt  }
0x4c: {  	_ =	shalt  }
0x4d: {  	_ =	shalt  }
0x4e: {  	_ =	shalt  }
0x4f: {  	_ =	shalt  }
0x50: {  	_ =	shalt  }
0x51: {  	_ =	shalt  }
0x52: {  	_ =	shalt  }
0x53: {  	_ =	shalt  }
0x54: {  	_ =	shalt  }
0x55: {  	_ =	shalt  }
0x56: {  	_ =	shalt  }
0x57: {  	_ =	shalt  }
0x58: {  	_ =	shalt  }
0x59: {  	_ =	shalt  }
0x5a: {  	_ =	shalt  }
0x5b: {  	_ =	shalt  }
0x5c: {  	_ =	shalt  }
0x5d: {  	_ =	shalt  }
0x5e: {  	_ =	shalt  }
0x5f: {  	_ =	shalt  }
0x60: {  	_ =	shalt  }
0x61: {  	_ =	shalt  }
0x62: {  	_ =	shalt  }
0x63: {  	_ =	shalt  }
0x64: {  	_ =	shalt  }
0x65: {  	_ =	shalt  }
0x66: {  	_ =	shalt  }
0x67: {  	_ =	shalt  }
0x68: {  	_ =	shalt  }
0x69: {  	_ =	shalt  }
0x6a: {  	_ =	shalt  }
0x6b: {  	_ =	shalt  }
0x6c: {  	_ =	shalt  }
0x6d: {  	_ =	shalt  }
0x6e: {  	_ =	shalt  }
0x6f: {  	_ =	shalt  }
0x70: {  	_ =	shalt  }
0x71: {  	_ =	shalt  }
0x72: {  	_ =	shalt  }
0x73: {  	_ =	shalt  }
0x74: {  	_ =	shalt  }
0x75: {  	_ =	shalt  }
0x76: {  	_ =	shalt  }
0x77: {  	_ =	shalt  }
0x78: {  	_ =	shalt  }
0x79: {  	_ =	shalt  }
0x7a: {  	_ =	shalt  }
0x7b: {  	_ =	shalt  }
0x7c: {  	_ =	shalt  }
0x7d: {  	_ =	shalt  }
0x7e: {  	_ =	shalt  }
0x7f: {  	_ =	shalt  }
0x80: {  	_ =	shalt  }
0x81: {  	_ =	shalt  }
0x82: {  	_ =	shalt  }
0x83: {  	_ =	shalt  }
0x84: {  	_ =	shalt  }
0x85: {  	_ =	shalt  }
0x86: {  	_ =	shalt  }
0x87: {  	_ =	shalt  }
.Lfunc_end0:
.L_simem_size_0:
called_computation_lowered:
.L_overlay_start_0:
0x88: {  	s2 =	sld [smem:$0x3FD9]  }
0x89: {  	s3 =	sld [smem:$0x3FFE];
	_ =	sdelay $0x1  }
0x8a: {  	s1 =	srdreg.scid  }
0x8b: {  	s0 =	sand.u32 $0x1, s1  }
0x8c: {  	s14 =	sshll.u32 s0, $0xA;
	s2 =	sadd.s32 s3, s2  }
0x8d: {  	s2 =	sadd.s32 s2, s14  }
0x8e: {  	[smem:$0x3FC6] =	sst s2  }
0x8f: {  	_ = 	snop  }
0x90: {  	s2 =	sld [smem:$0x3FD0];
	_ =	sdelay $0x2  }
0x91: {  	s4 =	simm.s32 $0xA;
	s5 =	simm.s32 $0x10;
	s15 =	sld [smem:$0x3FC8]  }
0x92: {  	[smem:s5], [sflag:s4] =	dma.local [hbm:s2], $0x1  }
0x93: {  	_ =	swait.eq [sflag:s4], $0x1  }
0x94: {  	[sflag:s4] =	ssyncset.done $0x0  }
0x95: {  	[sflag:s4] =	ssyncadd.s32 $0xFFFFFFFF  }
0x96: {  	s16 =	sld [smem:$0x12];
	(tm) =	ssettm $0x1  }
0x97: {  	s17 =	sld [smem:$0x3FFB];
	_ =	sdelay $0x3  }
0x98: {  	_ =	strace s17  }
0x99: {  	s4 =	sld [smem:$0x3FFC];
	_ =	sdelay $0x3  }
0x9a: {  	_ =	strace s4  }
0x9b: {  	s4 =	sld [smem:$0x3FFD];
	_ =	sdelay $0x3  }
0x9c: {  	_ =	strace s4  }
0x9d: {  	_ =	strace $0x8FFFFFFF  }
0x9e: {  	s18 =	sld [smem:$0x3FDB];
	_ =	sdelay $0x1  }
0x9f: {  	s19 =	simm.s32 $_scs_section_size  }
0xa0: {  	s6 =	simm.s32 $_size__tile_overlayer_lowered;
	s7 =	simm.s32 $_tile_overlayer_lowered  }
0xa1: {  	s22 =	simm.s32 $0x1BFF;
	s21 =	sshll.u32 s7, $0x1;
	s4 =	sadd.s32 s19, s18  }
0xa2: {  	s8 =	simm.s32 $0x0;
	s20 =	sshll.u32 s6, $0x1;
	s6 =	sadd.s32 s21, s4  }
0xa3: {  	[timem:s8], [sflag:s22] =	dma.local [hbm:s6], s20  }
0xa4: {  	_ =	swait.ge [sflag:s22], s20  }
0xa5: {  	s5 =	ssub.s32 $0x0, s20;
	[sflag:s22] =	ssyncset.done $0x0  }
0xa6: {  	[sflag:s22] =	ssyncadd.s32 s5;
	_ =	sdelay $0x1  }
0xa7: {  	s23 =	simm.s32 $0x1B8B  }
0xa8: {  	_ =	swait.ge [sflag:s23], $0x1  }
0xa9: {  	[sflag:s23] =	ssyncset.done $0x0  }
0xaa: {  	s25 =	simm.s32 $0x1B8E;
	s24 =	sld [smem:$0x3FFE];
	[sflag:s23] =	ssyncadd.s32 $0xFFFFFFFF  }
0xab: {  	s26 =	simm.s32 $execute0_lowered;
	[smem:$0x3FD2] =	sst s25  }
0xac: {  	s6 =	sshll.u32 s26, $0x1;
	_ =	strace $0x80000046;
	[dreg:$0x1] =	wrdreg $0xFFFFFFFF  }
0xad: {  	s28 =	simm.s32 $_size_execute0_lowered;
	s4 =	sadd.s32 s4, s6;
	[dreg:$0x0] =	wrdreg $0x0  }
0xae: {  	s6 =	sshll.u32 s28, $0x1;
	[dreg:$0x2] =	wrdreg s4  }
0xaf: {  	[dreg:$0x3] =	wrdreg s6  }
0xb0: {  	[dreg:$0x4] =	wrdreg $0xC0  }
0xb1: {  	_ =	task [dreg:s8], $0x5FFFF  }
0xb2: {  	[dreg:$0x1] =	wrdreg $0xFFFFFFFF  }
0xb3: {  	[dreg:$0x0] =	wrdreg $0x60  }
0xb4: {  	[dreg:$0x2] =	wrdreg s15  }
0xb5: {  	[dreg:$0x3] =	wrdreg s16  }
0xb6: {  	[dreg:$0x4] =	wrdreg s24  }
0xb7: {  	[dreg:$0x5] =	wrdreg $0x9  }
0xb8: {  	_ =	task.clear_ibuf [dreg:s8], $0x6FFFF;
	_ =	strace $0x90000046  }
0xb9: {  	s29 =	simm.s32 $0x9;
	_ =	strace $0x80000048  }
0xba: {  	_ =	swait.ge [sflag:s29], $0x1  }
0xbb: {  	[sflag:s29] =	ssyncadd.s32 $0xFFFFFFFF  }
0xbc: {  	_ =	strace $0x90000048  }
0xbd: {  	_ =	sfence  }
0xbe: {  	s30 =	sld [smem:$0x0];
	_ =	sdelay $0x2  }
0xbf: {  	s31 =	sshll.u32 s1, $0xD;
	s1 =	sshrl.u32 s1, $0x2  }
0xc0: {  	s3 =	sand.u32 $0x4000, s31;
	s1 =	sadd.s32 s1, s30  }
0xc1: {  	s0 =	sor.u32 s3, s0;
	s1 =	sshll.u32 s1, $0x11  }
0xc2: {  	s0 =	sor.u32 s1, s0  }
0xc3: {  	s0 =	sadd.s32 $0x8F2B, s0  }
0xc4: {  	[sflag:s0] =	ssyncadd.remote.s32 $0x1  }
0xc5: {  	_ =	sfence.sel $0xFFFF  }
0xc6: {  	[dreg:$0x0] =	wrdreg $0xFFFFFFFF;
	(pc) =	sbr.abs _section_cstart, $3  }
0xc7: {  	[dreg:$0x1] =	wrdreg $0xFFFFFFFF  }
0xc8: {  	_ =	task.clear_ibuf [dreg:s8], $0x2FFFF;
	_ =	strace $0x9FFFFFFF  }
0xc9: {  	(tm) =	ssettm $0x7FFFFFFF  }
tec
execute0_lowered:
.L_overlay_start_1:
0x0: {  	(tag) =	ssettag $0x1  }
0x1: {  	s1 =	rddreg [dreg:$0x0]  }
0x2: {  	s0 =	rddreg [dreg:$0x1]  }
0x3: {  	s2 =	rddreg [dreg:$0x2]  }
0x4: {  	s3 =	simm.s32 $0x0;
	s4 =	srdreg.scid;
	s8 =	stileid.u32  }
0x5: {  	s13 =	simm.s32 $0x2;
	s15 =	simm.s32 $0xA00;
	s16 =	simm.s32 $0x1200  }
0x6: {  	s17 =	simm.s32 $0x1A00;
	s18 =	simm.s32 $0x2200;
	s19 =	simm.s32 $0x2A00  }
0x7: {  	s28 =	simm.s32 $0x6200;
	s29 =	simm.s32 $0x6A00;
	s30 =	simm.s32 $0x7200  }
0x8: {  	s31 =	simm.s32 $0x7A00;
	s9 =	simm.s32 $0xAA00;
	s10 =	simm.s32 $0xB200  }
0x9: {  	s11 =	simm.s32 $0xBA00;
	[smem:$0x7FF] =	sst s3;
	s4 =	sand.u32 $0x1, s4  }
0xa: {  	s5 =	sshll.u32 s8, $0xF;
	s20 =	sshll.u32 s8, $0x7;
	s8 =	simm.s32 $0xA200  }
0xb: {  	s6 =	sshll.u32 s4, $0xE;
	s7 =	sshll.u32 s4, $0x6;
	_ =	strace $0x80000047  }
0xc: {  	s4 =	ssub.s32 $0x2, s4;
	s5 =	sor.u32 s6, s5;
	s0 =	sadd.s32 s0, s7  }
0xd: {  	s24 =	sshrl.u32 s4, $0x1;
	s7 =	simm.s32 $0x9A00;
	s2 =	sadd.s32 s5, s2  }
0xe: {  	s0 =	sadd.s32 s20, s0;
	s26 =	ssub.s32 s4, s24;
	s5 =	simm.s32 $0x3  }
0xf: {  	s20 =	simm.s32 $0x3200;
	[dreg:$0x4] =	wrdreg s0;
	s21 =	sadd.s32 $0x1A00, s2  }
0x10: {  	s24 =	simm.s32 $0x4A00;
	s22 =	sadd.s32 $0x2A00, s2;
	[dreg:$0x5] =	wrdreg s21  }
0x11: {  	s23 =	sadd.s32 $0x3A00, s2;
	s25 =	sadd.s32 $0x4A00, s2;
	[dreg:$0x6] =	wrdreg s22  }
0x12: {  	v2 =	vlaneseq.u32;
	s4 =	smax.u32 s26, $0x1;
	s2 =	simm.s32 $0x1;
	[dreg:$0x7] =	wrdreg s23  }
0x13: {  	vm0 =	vmmov $0xffff;
	v1 =	vshrl.u32 v2, $0x3;
	s26 =	simm.s32 $0x5A00;
	[dreg:$0x8] =	wrdreg s25;
	s21 =	simm.s32 $0x3A00  }
0x14: {  	v0 =	vand.u32 $0x7, v2;
	v2 =	vor.u32 $0x8, v2;
	v1 =	vmul.u32 $0x8, v1;
	s23 =	simm.s32 $0x4200;
	s25 =	simm.s32 $0x5200;
	s22 =	simm.s32 $0x8A00  }
.LBB2_1:
0x15: {  	s14 =	rddreg [dreg:$0x4]  }
0x16: {  	[tilespmem:s3], [sflag:$0x3] =	stream.linear.gather [hbm4b:s14+s3], $0x200, $0x38;
	[tilespmem:$0x10200] =	vst v63  }
0x17: {  	_ =	swait.ge [sflag:s5], $0x200  }
0x18: {  	[sflag:s5] =	ssyncset.done $0x0  }
0x19: {  	[sflag:s5] =	ssyncadd.s32 $0xFFFFFE00  }
0x1a: {  	v3 =	vld [tilespmem:$0x0];
	_ =	sdelay $0x4  }
0x1b: {  	v4 =	vshll.u32 v3, $0x1  }
0x1c: {  	v3 =	vand.u32 $0x7, v3;
	v4 =	vand.u32 $0xFFFFFFF0, v4  }
0x1d: {  	v3 =	vor.u32 v3, v4  }
0x1e: {  	v4 =	vperm.xlane v3, v0;
	_ =	sdelay $0x1  }
0x1f: {  	v3 =	vperm.xlane v3, v2;
	v4 =	vadd.s32 v1, v4;
	_ =	sdelay $0x1  }
0x20: {  	v3 =	vadd.s32 v1, v3;
	_ =	sdelay $0x1  }
0x21: {  	s0 =	simm.s32 $0x200  }
0x22: {  	[tilespmem:s0], [sflag:$0x1] =	stream.indirect_vreg.gather [hbm4b:s1+s3], $0x80, v4, vm0, $0xb8;
	[tilespmem:$0x10200] =	vst v63  }
0x23: {  	_ = 	snop  }
0x24: {  	[tilespmem:s15], [sflag:$0x1] =	stream.indirect_vreg.gather [hbm4b:s1+s3], $0x80, v3, vm0, $0xb8;
	[tilespmem:$0x10200] =	vst v63  }
0x25: {  	v3 =	vld [tilespmem:$0x10];
	_ =	sdelay $0x4  }
0x26: {  	v33 =	vshll.u32 v3, $0x1  }
0x27: {  	v3 =	vand.u32 $0x7, v3;
	v4 =	vand.u32 $0xFFFFFFF0, v33  }
0x28: {  	v3 =	vor.u32 v3, v4  }
0x29: {  	v4 =	vperm.xlane v3, v0;
	_ =	sdelay $0x1  }
0x2a: {  	v3 =	vperm.xlane v3, v2;
	v4 =	vadd.s32 v1, v4;
	_ =	sdelay $0x1  }
0x2b: {  	v3 =	vadd.s32 v1, v3;
	_ =	sdelay $0x2  }
0x2c: {  	[tilespmem:s16], [sflag:$0x1] =	stream.indirect_vreg.gather [hbm4b:s1+s3], $0x80, v4, vm0, $0xb8;
	[tilespmem:$0x10200] =	vst v63  }
0x2d: {  	_ = 	snop  }
0x2e: {  	[tilespmem:s17], [sflag:$0x1] =	stream.indirect_vreg.gather [hbm4b:s1+s3], $0x80, v3, vm0, $0xb8;
	[tilespmem:$0x10200] =	vst v63  }
0x2f: {  	v3 =	vld [tilespmem:$0x20];
	_ =	sdelay $0x4  }
0x30: {  	v34 =	vshll.u32 v3, $0x1  }
0x31: {  	v3 =	vand.u32 $0x7, v3;
	v4 =	vand.u32 $0xFFFFFFF0, v34  }
0x32: {  	v3 =	vor.u32 v3, v4  }
0x33: {  	v4 =	vperm.xlane v3, v0;
	_ =	sdelay $0x1  }
0x34: {  	v3 =	vperm.xlane v3, v2;
	v4 =	vadd.s32 v1, v4;
	_ =	sdelay $0x1  }
0x35: {  	v3 =	vadd.s32 v1, v3;
	_ =	sdelay $0x2  }
0x36: {  	[tilespmem:s18], [sflag:$0x1] =	stream.indirect_vreg.gather [hbm4b:s1+s3], $0x80, v4, vm0, $0xb8;
	[tilespmem:$0x10200] =	vst v63  }
0x37: {  	_ = 	snop  }
0x38: {  	[tilespmem:s19], [sflag:$0x1] =	stream.indirect_vreg.gather [hbm4b:s1+s3], $0x80, v3, vm0, $0xb8;
	[tilespmem:$0x10200] =	vst v63  }
0x39: {  	v3 =	vld [tilespmem:$0x30];
	_ =	sdelay $0x4  }
0x3a: {  	v35 =	vshll.u32 v3, $0x1  }
0x3b: {  	v3 =	vand.u32 $0x7, v3;
	v4 =	vand.u32 $0xFFFFFFF0, v35  }
0x3c: {  	v3 =	vor.u32 v3, v4  }
0x3d: {  	v4 =	vperm.xlane v3, v0;
	_ =	sdelay $0x1  }
0x3e: {  	v3 =	vperm.xlane v3, v2;
	v4 =	vadd.s32 v1, v4;
	_ =	sdelay $0x1  }
0x3f: {  	v3 =	vadd.s32 v1, v3;
	_ =	sdelay $0x2  }
0x40: {  	[tilespmem:s20], [sflag:$0x1] =	stream.indirect_vreg.gather [hbm4b:s1+s3], $0x80, v4, vm0, $0xb8;
	[tilespmem:$0x10200] =	vst v63  }
0x41: {  	_ = 	snop  }
0x42: {  	[tilespmem:s21], [sflag:$0x1] =	stream.indirect_vreg.gather [hbm4b:s1+s3], $0x80, v3, vm0, $0xb8;
	[tilespmem:$0x10200] =	vst v63  }
0x43: {  	v3 =	vld [tilespmem:$0x40];
	_ =	sdelay $0x4  }
0x44: {  	v36 =	vshll.u32 v3, $0x1  }
0x45: {  	v3 =	vand.u32 $0x7, v3;
	v4 =	vand.u32 $0xFFFFFFF0, v36  }
0x46: {  	v3 =	vor.u32 v3, v4  }
0x47: {  	v4 =	vperm.xlane v3, v0;
	_ =	sdelay $0x1  }
0x48: {  	v3 =	vperm.xlane v3, v2;
	v4 =	vadd.s32 v1, v4;
	_ =	sdelay $0x1  }
0x49: {  	v3 =	vadd.s32 v1, v3;
	_ =	sdelay $0x2  }
0x4a: {  	[tilespmem:s23], [sflag:$0x1] =	stream.indirect_vreg.gather [hbm4b:s1+s3], $0x80, v4, vm0, $0xb8;
	[tilespmem:$0x10200] =	vst v63  }
0x4b: {  	_ = 	snop  }
0x4c: {  	[tilespmem:s24], [sflag:$0x1] =	stream.indirect_vreg.gather [hbm4b:s1+s3], $0x80, v3, vm0, $0xb8;
	[tilespmem:$0x10200] =	vst v63  }
0x4d: {  	v3 =	vld [tilespmem:$0x50];
	_ =	sdelay $0x4  }
0x4e: {  	v37 =	vshll.u32 v3, $0x1  }
0x4f: {  	v3 =	vand.u32 $0x7, v3;
	v4 =	vand.u32 $0xFFFFFFF0, v37  }
0x50: {  	v3 =	vor.u32 v3, v4  }
0x51: {  	v4 =	vperm.xlane v3, v0;
	_ =	sdelay $0x1  }
0x52: {  	v3 =	vperm.xlane v3, v2;
	v4 =	vadd.s32 v1, v4;
	_ =	sdelay $0x1  }
0x53: {  	v3 =	vadd.s32 v1, v3;
	_ =	sdelay $0x2  }
0x54: {  	[tilespmem:s25], [sflag:$0x1] =	stream.indirect_vreg.gather [hbm4b:s1+s3], $0x80, v4, vm0, $0xb8;
	[tilespmem:$0x10200] =	vst v63  }
0x55: {  	_ = 	snop  }
0x56: {  	[tilespmem:s26], [sflag:$0x1] =	stream.indirect_vreg.gather [hbm4b:s1+s3], $0x80, v3, vm0, $0xb8;
	[tilespmem:$0x10200] =	vst v63  }
0x57: {  	v3 =	vld [tilespmem:$0x60];
	_ =	sdelay $0x4  }
0x58: {  	v38 =	vshll.u32 v3, $0x1  }
0x59: {  	v3 =	vand.u32 $0x7, v3;
	v4 =	vand.u32 $0xFFFFFFF0, v38  }
0x5a: {  	v3 =	vor.u32 v3, v4  }
0x5b: {  	v4 =	vperm.xlane v3, v0;
	_ =	sdelay $0x1  }
0x5c: {  	v3 =	vperm.xlane v3, v2;
	v4 =	vadd.s32 v1, v4;
	_ =	sdelay $0x1  }
0x5d: {  	v3 =	vadd.s32 v1, v3;
	_ =	sdelay $0x2  }
0x5e: {  	[tilespmem:s28], [sflag:$0x1] =	stream.indirect_vreg.gather [hbm4b:s1+s3], $0x80, v4, vm0, $0xb8;
	[tilespmem:$0x10200] =	vst v63  }
0x5f: {  	_ = 	snop  }
0x60: {  	[tilespmem:s29], [sflag:$0x1] =	stream.indirect_vreg.gather [hbm4b:s1+s3], $0x80, v3, vm0, $0xb8;
	[tilespmem:$0x10200] =	vst v63  }
0x61: {  	v3 =	vld [tilespmem:$0x70];
	_ =	sdelay $0x4  }
0x62: {  	v39 =	vshll.u32 v3, $0x1  }
0x63: {  	v3 =	vand.u32 $0x7, v3;
	v4 =	vand.u32 $0xFFFFFFF0, v39  }
0x64: {  	v3 =	vor.u32 v3, v4  }
0x65: {  	v4 =	vperm.xlane v3, v0;
	_ =	sdelay $0x1  }
0x66: {  	v3 =	vperm.xlane v3, v2;
	v4 =	vadd.s32 v1, v4;
	_ =	sdelay $0x1  }
0x67: {  	v3 =	vadd.s32 v1, v3;
	_ =	sdelay $0x2  }
0x68: {  	[tilespmem:s30], [sflag:$0x1] =	stream.indirect_vreg.gather [hbm4b:s1+s3], $0x80, v4, vm0, $0xb8;
	[tilespmem:$0x10200] =	vst v63  }
0x69: {  	_ = 	snop  }
0x6a: {  	[tilespmem:s31], [sflag:$0x1] =	stream.indirect_vreg.gather [hbm4b:s1+s3], $0x80, v3, vm0, $0xb8;
	[tilespmem:$0x10200] =	vst v63  }
0x6b: {  	v3 =	vld [tilespmem:$0x80];
	_ =	sdelay $0x4  }
0x6c: {  	v40 =	vshll.u32 v3, $0x1  }
0x6d: {  	v3 =	vand.u32 $0x7, v3;
	v4 =	vand.u32 $0xFFFFFFF0, v40  }
0x6e: {  	v3 =	vor.u32 v3, v4  }
0x6f: {  	v4 =	vperm.xlane v3, v0;
	_ =	sdelay $0x1  }
0x70: {  	v3 =	vperm.xlane v3, v2;
	v4 =	vadd.s32 v1, v4;
	_ =	sdelay $0x1  }
0x71: {  	v3 =	vadd.s32 v1, v3;
	_ =	sdelay $0x1  }
0x72: {  	s0 =	simm.s32 $0x8200  }
0x73: {  	[tilespmem:s0], [sflag:$0x2] =	stream.indirect_vreg.gather [hbm4b:s1+s3], $0x80, v4, vm0, $0xb8;
	[tilespmem:$0x10200] =	vst v63  }
0x74: {  	_ = 	snop  }
0x75: {  	[tilespmem:s22], [sflag:$0x2] =	stream.indirect_vreg.gather [hbm4b:s1+s3], $0x80, v3, vm0, $0xb8;
	[tilespmem:$0x10200] =	vst v63  }
0x76: {  	v3 =	vld [tilespmem:$0x90];
	_ =	sdelay $0x4  }
0x77: {  	v41 =	vshll.u32 v3, $0x1  }
0x78: {  	v3 =	vand.u32 $0x7, v3;
	v4 =	vand.u32 $0xFFFFFFF0, v41  }
0x79: {  	v3 =	vor.u32 v3, v4  }
0x7a: {  	v4 =	vperm.xlane v3, v0;
	_ =	sdelay $0x1  }
0x7b: {  	v3 =	vperm.xlane v3, v2;
	v4 =	vadd.s32 v1, v4;
	_ =	sdelay $0x1  }
0x7c: {  	v3 =	vadd.s32 v1, v3;
	_ =	sdelay $0x1  }
0x7d: {  	s6 =	simm.s32 $0x9200  }
0x7e: {  	[tilespmem:s6], [sflag:$0x2] =	stream.indirect_vreg.gather [hbm4b:s1+s3], $0x80, v4, vm0, $0xb8;
	[tilespmem:$0x10200] =	vst v63  }
0x7f: {  	_ = 	snop  }
0x80: {  	[tilespmem:s7], [sflag:$0x2] =	stream.indirect_vreg.gather [hbm4b:s1+s3], $0x80, v3, vm0, $0xb8;
	[tilespmem:$0x10200] =	vst v63  }
0x81: {  	v3 =	vld [tilespmem:$0xA0];
	_ =	sdelay $0x4  }
0x82: {  	v42 =	vshll.u32 v3, $0x1  }
0x83: {  	v3 =	vand.u32 $0x7, v3;
	v4 =	vand.u32 $0xFFFFFFF0, v42  }
0x84: {  	v3 =	vor.u32 v3, v4  }
0x85: {  	v4 =	vperm.xlane v3, v0;
	_ =	sdelay $0x1  }
0x86: {  	v3 =	vperm.xlane v3, v2;
	v4 =	vadd.s32 v1, v4;
	_ =	sdelay $0x1  }
0x87: {  	v3 =	vadd.s32 v1, v3;
	_ =	sdelay $0x2  }
0x88: {  	[tilespmem:s8], [sflag:$0x2] =	stream.indirect_vreg.gather [hbm4b:s1+s3], $0x80, v4, vm0, $0xb8;
	[tilespmem:$0x10200] =	vst v63  }
0x89: {  	_ = 	snop  }
0x8a: {  	[tilespmem:s9], [sflag:$0x2] =	stream.indirect_vreg.gather [hbm4b:s1+s3], $0x80, v3, vm0, $0xb8;
	[tilespmem:$0x10200] =	vst v63  }
0x8b: {  	v3 =	vld [tilespmem:$0xB0];
	_ =	sdelay $0x4  }
0x8c: {  	v43 =	vshll.u32 v3, $0x1  }
0x8d: {  	v3 =	vand.u32 $0x7, v3;
	v4 =	vand.u32 $0xFFFFFFF0, v43  }
0x8e: {  	v3 =	vor.u32 v3, v4  }
0x8f: {  	v4 =	vperm.xlane v3, v0;
	_ =	sdelay $0x1  }
0x90: {  	v3 =	vperm.xlane v3, v2;
	v4 =	vadd.s32 v1, v4;
	_ =	sdelay $0x1  }
0x91: {  	v3 =	vadd.s32 v1, v3;
	_ =	sdelay $0x2  }
0x92: {  	[tilespmem:s10], [sflag:$0x2] =	stream.indirect_vreg.gather [hbm4b:s1+s3], $0x80, v4, vm0, $0xb8;
	[tilespmem:$0x10200] =	vst v63  }
0x93: {  	_ = 	snop  }
0x94: {  	[tilespmem:s11], [sflag:$0x2] =	stream.indirect_vreg.gather [hbm4b:s1+s3], $0x80, v3, vm0, $0xb8;
	[tilespmem:$0x10200] =	vst v63  }
0x95: {  	v3 =	vld [tilespmem:$0xC0];
	_ =	sdelay $0x4  }
0x96: {  	v44 =	vshll.u32 v3, $0x1  }
0x97: {  	v3 =	vand.u32 $0x7, v3;
	v4 =	vand.u32 $0xFFFFFFF0, v44  }
0x98: {  	v3 =	vor.u32 v3, v4  }
0x99: {  	v4 =	vperm.xlane v3, v0;
	_ =	sdelay $0x1  }
0x9a: {  	v3 =	vperm.xlane v3, v2;
	v4 =	vadd.s32 v1, v4;
	_ =	sdelay $0x1  }
0x9b: {  	v3 =	vadd.s32 v1, v3;
	_ =	sdelay $0x1  }
0x9c: {  	s6 =	simm.s32 $0xC200  }
0x9d: {  	[tilespmem:s6], [sflag:$0x2] =	stream.indirect_vreg.gather [hbm4b:s1+s3], $0x80, v4, vm0, $0xb8;
	[tilespmem:$0x10200] =	vst v63  }
0x9e: {  	s12 =	simm.s32 $0xCA00  }
0x9f: {  	[tilespmem:s12], [sflag:$0x2] =	stream.indirect_vreg.gather [hbm4b:s1+s3], $0x80, v3, vm0, $0xb8;
	[tilespmem:$0x10200] =	vst v63  }
0xa0: {  	v3 =	vld [tilespmem:$0xD0];
	_ =	sdelay $0x4  }
0xa1: {  	v45 =	vshll.u32 v3, $0x1  }
0xa2: {  	v3 =	vand.u32 $0x7, v3;
	v4 =	vand.u32 $0xFFFFFFF0, v45  }
0xa3: {  	v3 =	vor.u32 v3, v4  }
0xa4: {  	v4 =	vperm.xlane v3, v0;
	_ =	sdelay $0x1  }
0xa5: {  	v3 =	vperm.xlane v3, v2;
	v4 =	vadd.s32 v1, v4;
	_ =	sdelay $0x1  }
0xa6: {  	v3 =	vadd.s32 v1, v3;
	_ =	sdelay $0x1  }
0xa7: {  	s14 =	simm.s32 $0xD200  }
0xa8: {  	[tilespmem:s14], [sflag:$0x2] =	stream.indirect_vreg.gather [hbm4b:s1+s3], $0x80, v4, vm0, $0xb8;
	[tilespmem:$0x10200] =	vst v63  }
0xa9: {  	s14 =	simm.s32 $0xDA00  }
0xaa: {  	[tilespmem:s14], [sflag:$0x2] =	stream.indirect_vreg.gather [hbm4b:s1+s3], $0x80, v3, vm0, $0xb8;
	[tilespmem:$0x10200] =	vst v63  }
0xab: {  	v3 =	vld [tilespmem:$0xE0];
	_ =	sdelay $0x4  }
0xac: {  	v46 =	vshll.u32 v3, $0x1  }
0xad: {  	v3 =	vand.u32 $0x7, v3;
	v4 =	vand.u32 $0xFFFFFFF0, v46  }
0xae: {  	v3 =	vor.u32 v3, v4  }
0xaf: {  	v4 =	vperm.xlane v3, v0;
	_ =	sdelay $0x1  }
0xb0: {  	v3 =	vperm.xlane v3, v2;
	v4 =	vadd.s32 v1, v4;
	_ =	sdelay $0x1  }
0xb1: {  	v3 =	vadd.s32 v1, v3;
	_ =	sdelay $0x1  }
0xb2: {  	s14 =	simm.s32 $0xE200  }
0xb3: {  	[tilespmem:s14], [sflag:$0x2] =	stream.indirect_vreg.gather [hbm4b:s1+s3], $0x80, v4, vm0, $0xb8;
	[tilespmem:$0x10200] =	vst v63  }
0xb4: {  	s14 =	simm.s32 $0xEA00  }
0xb5: {  	[tilespmem:s14], [sflag:$0x2] =	stream.indirect_vreg.gather [hbm4b:s1+s3], $0x80, v3, vm0, $0xb8;
	[tilespmem:$0x10200] =	vst v63  }
0xb6: {  	v3 =	vld [tilespmem:$0xF0];
	_ =	sdelay $0x4  }
0xb7: {  	v47 =	vshll.u32 v3, $0x1  }
0xb8: {  	v3 =	vand.u32 $0x7, v3;
	v4 =	vand.u32 $0xFFFFFFF0, v47  }
0xb9: {  	v3 =	vor.u32 v3, v4  }
0xba: {  	v4 =	vperm.xlane v3, v0;
	_ =	sdelay $0x1  }
0xbb: {  	v3 =	vperm.xlane v3, v2;
	v4 =	vadd.s32 v1, v4;
	_ =	sdelay $0x1  }
0xbc: {  	v3 =	vadd.s32 v1, v3;
	_ =	sdelay $0x1  }
0xbd: {  	s14 =	simm.s32 $0xF200  }
0xbe: {  	[tilespmem:s14], [sflag:$0x2] =	stream.indirect_vreg.gather [hbm4b:s1+s3], $0x80, v4, vm0, $0xb8;
	[tilespmem:$0x10200] =	vst v63  }
0xbf: {  	s14 =	simm.s32 $0xFA00  }
0xc0: {  	[tilespmem:s14], [sflag:$0x2] =	stream.indirect_vreg.gather [hbm4b:s1+s3], $0x80, v3, vm0, $0xb8;
	[tilespmem:$0x10200] =	vst v63  }
0xc1: {  	_ =	swait.ge [sflag:s2], $0x8000  }
0xc2: {  	[sflag:s2] =	ssyncset.done $0x0  }
0xc3: {  	s12 =	simm.s32 $0x200;
	s14 =	rddreg [dreg:$0x5];
	[sflag:s2] =	ssyncadd.s32 $0xFFFF8000  }
0xc4: {  	[hbm4b:s14+s3] =	stream.linear.scatter [tilespmem:s12], [sflag:$0x3], $0x8000, $0x38;
	[tilespmem:$0x10200] =	vst v63  }
0xc5: {  	_ =	swait.ge [sflag:s5], $0x8000  }
0xc6: {  	[sflag:s5] =	ssyncset.done $0x0  }
0xc7: {  	[sflag:s5] =	ssyncadd.s32 $0xFFFF8000  }
0xc8: {  	v3 =	vld [tilespmem:$0x100];
	_ =	sdelay $0x4  }
0xc9: {  	v48 =	vshll.u32 v3, $0x1  }
0xca: {  	v3 =	vand.u32 $0x7, v3;
	v4 =	vand.u32 $0xFFFFFFF0, v48  }
0xcb: {  	v3 =	vor.u32 v3, v4  }
0xcc: {  	v4 =	vperm.xlane v3, v0;
	_ =	sdelay $0x1  }
0xcd: {  	v3 =	vperm.xlane v3, v2;
	v4 =	vadd.s32 v1, v4;
	_ =	sdelay $0x1  }
0xce: {  	v3 =	vadd.s32 v1, v3;
	_ =	sdelay $0x2  }
0xcf: {  	[tilespmem:s12], [sflag:$0x1] =	stream.indirect_vreg.gather [hbm4b:s1+s3], $0x80, v4, vm0, $0xb8;
	[tilespmem:$0x10200] =	vst v63  }
0xd0: {  	_ = 	snop  }
0xd1: {  	[tilespmem:s15], [sflag:$0x1] =	stream.indirect_vreg.gather [hbm4b:s1+s3], $0x80, v3, vm0, $0xb8;
	[tilespmem:$0x10200] =	vst v63  }
0xd2: {  	v3 =	vld [tilespmem:$0x110];
	_ =	sdelay $0x4  }
0xd3: {  	v49 =	vshll.u32 v3, $0x1  }
0xd4: {  	v3 =	vand.u32 $0x7, v3;
	v4 =	vand.u32 $0xFFFFFFF0, v49  }
0xd5: {  	v3 =	vor.u32 v3, v4  }
0xd6: {  	v4 =	vperm.xlane v3, v0;
	_ =	sdelay $0x1  }
0xd7: {  	v3 =	vperm.xlane v3, v2;
	v4 =	vadd.s32 v1, v4;
	_ =	sdelay $0x1  }
0xd8: {  	v3 =	vadd.s32 v1, v3;
	_ =	sdelay $0x2  }
0xd9: {  	[tilespmem:s16], [sflag:$0x1] =	stream.indirect_vreg.gather [hbm4b:s1+s3], $0x80, v4, vm0, $0xb8;
	[tilespmem:$0x10200] =	vst v63  }
0xda: {  	_ = 	snop  }
0xdb: {  	[tilespmem:s17], [sflag:$0x1] =	stream.indirect_vreg.gather [hbm4b:s1+s3], $0x80, v3, vm0, $0xb8;
	[tilespmem:$0x10200] =	vst v63  }
0xdc: {  	v3 =	vld [tilespmem:$0x120];
	_ =	sdelay $0x4  }
0xdd: {  	v50 =	vshll.u32 v3, $0x1  }
0xde: {  	v3 =	vand.u32 $0x7, v3;
	v4 =	vand.u32 $0xFFFFFFF0, v50  }
0xdf: {  	v3 =	vor.u32 v3, v4  }
0xe0: {  	v4 =	vperm.xlane v3, v0;
	_ =	sdelay $0x1  }
0xe1: {  	v3 =	vperm.xlane v3, v2;
	v4 =	vadd.s32 v1, v4;
	_ =	sdelay $0x1  }
0xe2: {  	v3 =	vadd.s32 v1, v3;
	_ =	sdelay $0x2  }
0xe3: {  	[tilespmem:s18], [sflag:$0x1] =	stream.indirect_vreg.gather [hbm4b:s1+s3], $0x80, v4, vm0, $0xb8;
	[tilespmem:$0x10200] =	vst v63  }
0xe4: {  	_ = 	snop  }
0xe5: {  	[tilespmem:s19], [sflag:$0x1] =	stream.indirect_vreg.gather [hbm4b:s1+s3], $0x80, v3, vm0, $0xb8;
	[tilespmem:$0x10200] =	vst v63  }
0xe6: {  	v3 =	vld [tilespmem:$0x130];
	_ =	sdelay $0x4  }
0xe7: {  	v51 =	vshll.u32 v3, $0x1  }
0xe8: {  	v3 =	vand.u32 $0x7, v3;
	v4 =	vand.u32 $0xFFFFFFF0, v51  }
0xe9: {  	v3 =	vor.u32 v3, v4  }
0xea: {  	v4 =	vperm.xlane v3, v0;
	_ =	sdelay $0x1  }
0xeb: {  	v3 =	vperm.xlane v3, v2;
	v4 =	vadd.s32 v1, v4;
	_ =	sdelay $0x1  }
0xec: {  	v3 =	vadd.s32 v1, v3;
	_ =	sdelay $0x2  }
0xed: {  	[tilespmem:s20], [sflag:$0x1] =	stream.indirect_vreg.gather [hbm4b:s1+s3], $0x80, v4, vm0, $0xb8;
	[tilespmem:$0x10200] =	vst v63  }
0xee: {  	_ = 	snop  }
0xef: {  	[tilespmem:s21], [sflag:$0x1] =	stream.indirect_vreg.gather [hbm4b:s1+s3], $0x80, v3, vm0, $0xb8;
	[tilespmem:$0x10200] =	vst v63  }
0xf0: {  	v3 =	vld [tilespmem:$0x140];
	_ =	sdelay $0x4  }
0xf1: {  	v52 =	vshll.u32 v3, $0x1  }
0xf2: {  	v3 =	vand.u32 $0x7, v3;
	v4 =	vand.u32 $0xFFFFFFF0, v52  }
0xf3: {  	v3 =	vor.u32 v3, v4  }
0xf4: {  	v4 =	vperm.xlane v3, v0;
	_ =	sdelay $0x1  }
0xf5: {  	v3 =	vperm.xlane v3, v2;
	v4 =	vadd.s32 v1, v4;
	_ =	sdelay $0x1  }
0xf6: {  	v3 =	vadd.s32 v1, v3;
	_ =	sdelay $0x2  }
0xf7: {  	[tilespmem:s23], [sflag:$0x1] =	stream.indirect_vreg.gather [hbm4b:s1+s3], $0x80, v4, vm0, $0xb8;
	[tilespmem:$0x10200] =	vst v63  }
0xf8: {  	_ = 	snop  }
0xf9: {  	[tilespmem:s24], [sflag:$0x1] =	stream.indirect_vreg.gather [hbm4b:s1+s3], $0x80, v3, vm0, $0xb8;
	[tilespmem:$0x10200] =	vst v63  }
0xfa: {  	v3 =	vld [tilespmem:$0x150];
	_ =	sdelay $0x4  }
0xfb: {  	v53 =	vshll.u32 v3, $0x1  }
0xfc: {  	v3 =	vand.u32 $0x7, v3;
	v4 =	vand.u32 $0xFFFFFFF0, v53  }
0xfd: {  	v3 =	vor.u32 v3, v4  }
0xfe: {  	v4 =	vperm.xlane v3, v0;
	_ =	sdelay $0x1  }
0xff: {  	v3 =	vperm.xlane v3, v2;
	v4 =	vadd.s32 v1, v4;
	_ =	sdelay $0x1  }
0x100: {  	v3 =	vadd.s32 v1, v3;
	_ =	sdelay $0x2  }
0x101: {  	[tilespmem:s25], [sflag:$0x1] =	stream.indirect_vreg.gather [hbm4b:s1+s3], $0x80, v4, vm0, $0xb8;
	[tilespmem:$0x10200] =	vst v63  }
0x102: {  	_ = 	snop  }
0x103: {  	[tilespmem:s26], [sflag:$0x1] =	stream.indirect_vreg.gather [hbm4b:s1+s3], $0x80, v3, vm0, $0xb8;
	[tilespmem:$0x10200] =	vst v63  }
0x104: {  	v3 =	vld [tilespmem:$0x160];
	_ =	sdelay $0x4  }
0x105: {  	v54 =	vshll.u32 v3, $0x1  }
0x106: {  	v3 =	vand.u32 $0x7, v3;
	v4 =	vand.u32 $0xFFFFFFF0, v54  }
0x107: {  	v3 =	vor.u32 v3, v4  }
0x108: {  	v4 =	vperm.xlane v3, v0;
	_ =	sdelay $0x1  }
0x109: {  	v3 =	vperm.xlane v3, v2;
	v4 =	vadd.s32 v1, v4;
	_ =	sdelay $0x1  }
0x10a: {  	v3 =	vadd.s32 v1, v3;
	_ =	sdelay $0x2  }
0x10b: {  	[tilespmem:s28], [sflag:$0x1] =	stream.indirect_vreg.gather [hbm4b:s1+s3], $0x80, v4, vm0, $0xb8;
	[tilespmem:$0x10200] =	vst v63  }
0x10c: {  	_ = 	snop  }
0x10d: {  	[tilespmem:s29], [sflag:$0x1] =	stream.indirect_vreg.gather [hbm4b:s1+s3], $0x80, v3, vm0, $0xb8;
	[tilespmem:$0x10200] =	vst v63  }
0x10e: {  	v3 =	vld [tilespmem:$0x170];
	_ =	sdelay $0x4  }
0x10f: {  	v55 =	vshll.u32 v3, $0x1  }
0x110: {  	v3 =	vand.u32 $0x7, v3;
	v4 =	vand.u32 $0xFFFFFFF0, v55  }
0x111: {  	v3 =	vor.u32 v3, v4  }
0x112: {  	v4 =	vperm.xlane v3, v0;
	_ =	sdelay $0x1  }
0x113: {  	v3 =	vperm.xlane v3, v2;
	v4 =	vadd.s32 v1, v4;
	_ =	sdelay $0x1  }
0x114: {  	v3 =	vadd.s32 v1, v3;
	_ =	sdelay $0x2  }
0x115: {  	[tilespmem:s30], [sflag:$0x1] =	stream.indirect_vreg.gather [hbm4b:s1+s3], $0x80, v4, vm0, $0xb8;
	[tilespmem:$0x10200] =	vst v63  }
0x116: {  	_ = 	snop  }
0x117: {  	[tilespmem:s31], [sflag:$0x1] =	stream.indirect_vreg.gather [hbm4b:s1+s3], $0x80, v3, vm0, $0xb8;
	[tilespmem:$0x10200] =	vst v63  }
0x118: {  	_ =	swait.ge [sflag:s13], $0x8000  }
0x119: {  	[sflag:s13] =	ssyncset.done $0x0  }
0x11a: {  	s12 =	rddreg [dreg:$0x6];
	[sflag:s13] =	ssyncadd.s32 $0xFFFF8000  }
0x11b: {  	[hbm4b:s12+s3] =	stream.linear.scatter [tilespmem:s0], [sflag:$0x3], $0x8000, $0x38;
	[tilespmem:$0x10200] =	vst v63  }
0x11c: {  	_ =	swait.ge [sflag:s5], $0x8000  }
0x11d: {  	[sflag:s5] =	ssyncset.done $0x0  }
0x11e: {  	[sflag:s5] =	ssyncadd.s32 $0xFFFF8000  }
0x11f: {  	v3 =	vld [tilespmem:$0x180];
	_ =	sdelay $0x4  }
0x120: {  	v56 =	vshll.u32 v3, $0x1  }
0x121: {  	v3 =	vand.u32 $0x7, v3;
	v4 =	vand.u32 $0xFFFFFFF0, v56  }
0x122: {  	v3 =	vor.u32 v3, v4  }
0x123: {  	v4 =	vperm.xlane v3, v0;
	_ =	sdelay $0x1  }
0x124: {  	v3 =	vperm.xlane v3, v2;
	v4 =	vadd.s32 v1, v4;
	_ =	sdelay $0x1  }
0x125: {  	v3 =	vadd.s32 v1, v3;
	_ =	sdelay $0x2  }
0x126: {  	[tilespmem:s0], [sflag:$0x2] =	stream.indirect_vreg.gather [hbm4b:s1+s3], $0x80, v4, vm0, $0xb8;
	[tilespmem:$0x10200] =	vst v63  }
0x127: {  	_ = 	snop  }
0x128: {  	[tilespmem:s22], [sflag:$0x2] =	stream.indirect_vreg.gather [hbm4b:s1+s3], $0x80, v3, vm0, $0xb8;
	[tilespmem:$0x10200] =	vst v63  }
0x129: {  	v3 =	vld [tilespmem:$0x190];
	_ =	sdelay $0x4  }
0x12a: {  	v57 =	vshll.u32 v3, $0x1  }
0x12b: {  	v3 =	vand.u32 $0x7, v3;
	v4 =	vand.u32 $0xFFFFFFF0, v57  }
0x12c: {  	v3 =	vor.u32 v3, v4  }
0x12d: {  	v4 =	vperm.xlane v3, v0;
	_ =	sdelay $0x1  }
0x12e: {  	v3 =	vperm.xlane v3, v2;
	v4 =	vadd.s32 v1, v4;
	_ =	sdelay $0x1  }
0x12f: {  	v3 =	vadd.s32 v1, v3;
	_ =	sdelay $0x1  }
0x130: {  	s14 =	simm.s32 $0x9200  }
0x131: {  	[tilespmem:s14], [sflag:$0x2] =	stream.indirect_vreg.gather [hbm4b:s1+s3], $0x80, v4, vm0, $0xb8;
	[tilespmem:$0x10200] =	vst v63  }
0x132: {  	_ = 	snop  }
0x133: {  	[tilespmem:s7], [sflag:$0x2] =	stream.indirect_vreg.gather [hbm4b:s1+s3], $0x80, v3, vm0, $0xb8;
	[tilespmem:$0x10200] =	vst v63  }
0x134: {  	v3 =	vld [tilespmem:$0x1A0];
	_ =	sdelay $0x4  }
0x135: {  	v58 =	vshll.u32 v3, $0x1  }
0x136: {  	v3 =	vand.u32 $0x7, v3;
	v4 =	vand.u32 $0xFFFFFFF0, v58  }
0x137: {  	v3 =	vor.u32 v3, v4  }
0x138: {  	v4 =	vperm.xlane v3, v0;
	_ =	sdelay $0x1  }
0x139: {  	v3 =	vperm.xlane v3, v2;
	v4 =	vadd.s32 v1, v4;
	_ =	sdelay $0x1  }
0x13a: {  	v3 =	vadd.s32 v1, v3;
	_ =	sdelay $0x2  }
0x13b: {  	[tilespmem:s8], [sflag:$0x2] =	stream.indirect_vreg.gather [hbm4b:s1+s3], $0x80, v4, vm0, $0xb8;
	[tilespmem:$0x10200] =	vst v63  }
0x13c: {  	_ = 	snop  }
0x13d: {  	[tilespmem:s9], [sflag:$0x2] =	stream.indirect_vreg.gather [hbm4b:s1+s3], $0x80, v3, vm0, $0xb8;
	[tilespmem:$0x10200] =	vst v63  }
0x13e: {  	v3 =	vld [tilespmem:$0x1B0];
	_ =	sdelay $0x4  }
0x13f: {  	v59 =	vshll.u32 v3, $0x1  }
0x140: {  	v3 =	vand.u32 $0x7, v3;
	v4 =	vand.u32 $0xFFFFFFF0, v59  }
0x141: {  	v3 =	vor.u32 v3, v4  }
0x142: {  	v4 =	vperm.xlane v3, v0;
	_ =	sdelay $0x1  }
0x143: {  	v3 =	vperm.xlane v3, v2;
	v4 =	vadd.s32 v1, v4;
	_ =	sdelay $0x1  }
0x144: {  	v3 =	vadd.s32 v1, v3;
	_ =	sdelay $0x2  }
0x145: {  	[tilespmem:s10], [sflag:$0x2] =	stream.indirect_vreg.gather [hbm4b:s1+s3], $0x80, v4, vm0, $0xb8;
	[tilespmem:$0x10200] =	vst v63  }
0x146: {  	_ = 	snop  }
0x147: {  	[tilespmem:s11], [sflag:$0x2] =	stream.indirect_vreg.gather [hbm4b:s1+s3], $0x80, v3, vm0, $0xb8;
	[tilespmem:$0x10200] =	vst v63  }
0x148: {  	v3 =	vld [tilespmem:$0x1C0];
	_ =	sdelay $0x4  }
0x149: {  	v60 =	vshll.u32 v3, $0x1  }
0x14a: {  	v3 =	vand.u32 $0x7, v3;
	v4 =	vand.u32 $0xFFFFFFF0, v60  }
0x14b: {  	v3 =	vor.u32 v3, v4  }
0x14c: {  	v4 =	vperm.xlane v3, v0;
	_ =	sdelay $0x1  }
0x14d: {  	v3 =	vperm.xlane v3, v2;
	v4 =	vadd.s32 v1, v4;
	_ =	sdelay $0x1  }
0x14e: {  	v3 =	vadd.s32 v1, v3;
	_ =	sdelay $0x2  }
0x14f: {  	[tilespmem:s6], [sflag:$0x2] =	stream.indirect_vreg.gather [hbm4b:s1+s3], $0x80, v4, vm0, $0xb8;
	[tilespmem:$0x10200] =	vst v63  }
0x150: {  	s14 =	simm.s32 $0xCA00  }
0x151: {  	[tilespmem:s14], [sflag:$0x2] =	stream.indirect_vreg.gather [hbm4b:s1+s3], $0x80, v3, vm0, $0xb8;
	[tilespmem:$0x10200] =	vst v63  }
0x152: {  	v3 =	vld [tilespmem:$0x1D0];
	_ =	sdelay $0x4  }
0x153: {  	v61 =	vshll.u32 v3, $0x1  }
0x154: {  	v3 =	vand.u32 $0x7, v3;
	v4 =	vand.u32 $0xFFFFFFF0, v61  }
0x155: {  	v3 =	vor.u32 v3, v4  }
0x156: {  	v4 =	vperm.xlane v3, v0;
	_ =	sdelay $0x1  }
0x157: {  	v3 =	vperm.xlane v3, v2;
	v4 =	vadd.s32 v1, v4;
	_ =	sdelay $0x1  }
0x158: {  	v3 =	vadd.s32 v1, v3;
	_ =	sdelay $0x1  }
0x159: {  	s12 =	simm.s32 $0xD200  }
0x15a: {  	[tilespmem:s12], [sflag:$0x2] =	stream.indirect_vreg.gather [hbm4b:s1+s3], $0x80, v4, vm0, $0xb8;
	[tilespmem:$0x10200] =	vst v63  }
0x15b: {  	s14 =	simm.s32 $0xDA00  }
0x15c: {  	[tilespmem:s14], [sflag:$0x2] =	stream.indirect_vreg.gather [hbm4b:s1+s3], $0x80, v3, vm0, $0xb8;
	[tilespmem:$0x10200] =	vst v63  }
0x15d: {  	v3 =	vld [tilespmem:$0x1E0];
	_ =	sdelay $0x4  }
0x15e: {  	v62 =	vshll.u32 v3, $0x1  }
0x15f: {  	v3 =	vand.u32 $0x7, v3;
	v4 =	vand.u32 $0xFFFFFFF0, v62  }
0x160: {  	v3 =	vor.u32 v3, v4  }
0x161: {  	v4 =	vperm.xlane v3, v0;
	_ =	sdelay $0x1  }
0x162: {  	v3 =	vperm.xlane v3, v2;
	v4 =	vadd.s32 v1, v4;
	_ =	sdelay $0x1  }
0x163: {  	v3 =	vadd.s32 v1, v3;
	_ =	sdelay $0x1  }
0x164: {  	s12 =	simm.s32 $0xE200  }
0x165: {  	[tilespmem:s12], [sflag:$0x2] =	stream.indirect_vreg.gather [hbm4b:s1+s3], $0x80, v4, vm0, $0xb8;
	[tilespmem:$0x10200] =	vst v63  }
0x166: {  	s14 =	simm.s32 $0xEA00  }
0x167: {  	[tilespmem:s14], [sflag:$0x2] =	stream.indirect_vreg.gather [hbm4b:s1+s3], $0x80, v3, vm0, $0xb8;
	[tilespmem:$0x10200] =	vst v63  }
0x168: {  	v3 =	vld [tilespmem:$0x1F0];
	_ =	sdelay $0x4  }
0x169: {  	v63 =	vshll.u32 v3, $0x1  }
0x16a: {  	v3 =	vand.u32 $0x7, v3;
	v4 =	vand.u32 $0xFFFFFFF0, v63  }
0x16b: {  	v3 =	vor.u32 v3, v4  }
0x16c: {  	v4 =	vperm.xlane v3, v0;
	_ =	sdelay $0x1  }
0x16d: {  	v3 =	vperm.xlane v3, v2;
	v4 =	vadd.s32 v1, v4;
	_ =	sdelay $0x1  }
0x16e: {  	v3 =	vadd.s32 v1, v3;
	_ =	sdelay $0x1  }
0x16f: {  	s12 =	simm.s32 $0xF200  }
0x170: {  	[tilespmem:s12], [sflag:$0x2] =	stream.indirect_vreg.gather [hbm4b:s1+s3], $0x80, v4, vm0, $0xb8;
	[tilespmem:$0x10200] =	vst v63  }
0x171: {  	s14 =	simm.s32 $0xFA00  }
0x172: {  	[tilespmem:s14], [sflag:$0x2] =	stream.indirect_vreg.gather [hbm4b:s1+s3], $0x80, v3, vm0, $0xb8;
	[tilespmem:$0x10200] =	vst v63  }
0x173: {  	_ =	swait.ge [sflag:s2], $0x8000  }
0x174: {  	[sflag:s2] =	ssyncset.done $0x0  }
0x175: {  	s12 =	simm.s32 $0x200;
	s6 =	rddreg [dreg:$0x7];
	[sflag:s2] =	ssyncadd.s32 $0xFFFF8000  }
0x176: {  	[hbm4b:s6+s3] =	stream.linear.scatter [tilespmem:s12], [sflag:$0x3], $0x8000, $0x38;
	[tilespmem:$0x10200] =	vst v63  }
0x177: {  	_ =	swait.ge [sflag:s5], $0x8000  }
0x178: {  	[sflag:s5] =	ssyncset.done $0x0  }
0x179: {  	[sflag:s5] =	ssyncadd.s32 $0xFFFF8000  }
0x17a: {  	_ =	swait.ge [sflag:s13], $0x8000  }
0x17b: {  	p0 =	sne.s32 s4, $0x1;
	[sflag:s13] =	ssyncset.done $0x0  }
.Ltmp0:
0x17c: {  	s12 =	rddreg [dreg:$0x8];
	[sflag:s13] =	ssyncadd.s32 $0xFFFF8000;
	(pc) =	sbr.rel @p0 .LBB2_1-.Ltmp0, $4  }
0x17d: {  	[hbm4b:s12+s3] =	stream.linear.scatter [tilespmem:s0], [sflag:$0x3], $0x8000, $0x38;
	[tilespmem:$0x10200] =	vst v63  }
0x17e: {  	_ =	swait.ge [sflag:s5], $0x8000  }
0x17f: {  	[sflag:s5] =	ssyncset.done $0x0  }
0x180: {  	s4 =	sadd.s32 $0xFFFFFFFF, s4;
	[sflag:s5] =	ssyncadd.s32 $0xFFFF8000  }
0x181: {  	_ =	sfence.sel $0x180000  }
0x182: {  	[bflag:$0x0] =	sbarrier.arrive $0xFFFF  }
0x183: {  	_ =	strace $0x90000047  }
0x184: {  	s0 =	stileid.u32;
	[bflag:$0x2] =	sbarrier.arrive $0xFFFF  }
0x185: {  	p0 =	sne.s32 s0, $0x0;
	s0 =	rddreg [dreg:$0x3]  }
0x186: {  	s0 =	sadd.s32 @!p0 $0x100000, s0  }
0x187: {  	[sflag:s0] =	ssyncadd.tile.s32 @!p0 $0x1;
	_ =	shalt  }
.Lfunc_end2:
_tile_overlayer_lowered:
.L_overlay_start_2:
0x188: {  	(tag) =	ssettag $0x2  }
0x189: {  	s0 =	rddreg [dreg:$0x0];
	s2 =	stileid.u32  }
0x18a: {  	s1 =	rddreg [dreg:$0x1];
	p0 =	sne.s32 s2, $0x0  }
0x18b: {  	s3 =	rddreg [dreg:$0x2];
	[bflag:$0x3] =	sbarrier.arrive $0xFFFF;
	s2 =	simm.s32 @!p0 $0x1C03  }
0x18c: {  	[timem:s3], [sflag:s2] =	dma.local @!p0 [hbm:s0], s1  }
0x18d: {  	s0 =	simm.s32 @!p0 $0x3  }
0x18e: {  	_ =	swait.ge @!p0 [sflag:s0], s1  }
0x18f: {  	s1 =	ssub.s32 @!p0 $0x0, s1;
	[sflag:s0] =	ssyncset.done @!p0 $0x0  }
0x190: {  	[sflag:s0] =	ssyncadd.s32 @!p0 s1  }
0x191: {  	[bflag:$0x3] =	sbarrier.arrive $0xFFFF  }
0x192: {  	_ =	shalt  }

</sc_bundles>
